<compile_context>
chip_gen: v7x
topology: tpu7x:2x2x1
jax: 0.10.2.dev20260603
libtpu: 0.0.44.dev20260713+nightly
codegen_flags: <defaults>
</compile_context>

<pallas_src>
import functools

import jax
import jax.numpy as jnp
import numpy as np
from jax import lax
from jax.experimental import pallas as pl
from jax.experimental.pallas import tpu as pltpu
from jax.experimental.pallas import tpu_sc as plsc

_N = 10000
_E = 320000
_F = 128
_H = _F // 2
_NC = 2
_NS = 16
_CH = 88
_EDGES_PER_TILE = _E // _NS
_NB = 6
_NCHUNK = 228
_PAD = _NCHUNK * _CH - _EDGES_PER_TILE
_ACC_ROWS = _N + 8
_STRIPE = _N // _NS


def _perm(n):
    m = np.zeros((n, n), dtype=np.float32)
    for i in range(n):
        m[i, i * 4 % n + i * 4 // n] = 1.0
    return m

_LT = _perm(_F).T
_RT = _perm(_F)


def _tc_body(x_ref, w_ref, lt_ref, rt_ref, s0_ref, s1_ref):
    w = w_ref[...]
    d = _F // 4
    r = w[:, 0 * d:1 * d]
    i = w[:, 1 * d:2 * d]
    j = w[:, 2 * d:3 * d]
    k = w[:, 3 * d:4 * d]
    r2 = jnp.concatenate([r, -i, -j, -k], axis=1)
    i2 = jnp.concatenate([i, r, -k, j], axis=1)
    j2 = jnp.concatenate([j, k, r, -i], axis=1)
    k2 = jnp.concatenate([k, -j, i, r], axis=1)
    ham = jnp.concatenate([r2, i2, j2, k2], axis=0)
    hp = jnp.dot(lt_ref[...],
                 jnp.dot(ham, rt_ref[...], preferred_element_type=jnp.float32),
                 preferred_element_type=jnp.float32)
    s = jnp.dot(x_ref[...], hp, preferred_element_type=jnp.float32)
    s0_ref[...] = s[:, :_H]
    s1_ref[...] = s[:, _H:]


def _support(x, w):
    return pl.pallas_call(
        _tc_body,
        out_shape=(jax.ShapeDtypeStruct((_N, _H), jnp.float32),
                   jax.ShapeDtypeStruct((_N, _H), jnp.float32)),
    )(x, w, _LT, _RT)


def _each_stripe(sid, fn):
    @pl.when(sid < _NS - 1)
    def _():
        fn(pl.multiple_of(sid * 624, 8), 624)

    @pl.when(sid == _NS - 1)
    def _():
        fn((_NS - 1) * 624, _N - (_NS - 1) * 624)


def _sc_body(s0_hbm, s1_hbm, src_hbm, dst_hbm, zeros_hbm,
             out_hbm, src_v, dst_v, bufs, acc, gsems):
    cid = lax.axis_index("c")
    sid = lax.axis_index("s")

    def zinit(row0, nrows):
        pltpu.sync_copy(zeros_hbm.at[pl.ds(row0, nrows)],
                        acc.at[pl.ds(row0, nrows)])
    _each_stripe(sid, zinit)
    pltpu.sync_copy(src_hbm.at[sid], src_v)
    pltpu.sync_copy(dst_hbm.at[sid], dst_v)
    plsc.subcore_barrier()

    def run(table_hbm):
        def gather(j, b):
            return pltpu.make_async_copy(table_hbm.at[src_v.at[j]],
                                         bufs[b], gsems[b])

        for b in range(_NB - 1):
            gather(b, b).start()

        def quad(q, carry):
            j0 = q * _NB
            for b in range(_NB):
                j = j0 + b
                nb = (b + _NB - 1) % _NB
                gather(j, b).wait()

                @pl.when(j + _NB - 1 < _NCHUNK)
                def _():
                    gather(j + _NB - 1, nb).start()

                pltpu.sync_copy(bufs[b], acc.at[dst_v.at[j]], add=True)
            return carry

        lax.fori_loop(0, _NCHUNK // _NB, quad, 0, unroll=False)

    @pl.when(cid == 0)
    def _():
        run(s0_hbm)

    @pl.when(cid == 1)
    def _():
        run(s1_hbm)

    plsc.subcore_barrier()

    def wout(col0):
        def cp(row0, nrows):
            pltpu.sync_copy(acc.at[pl.ds(row0, nrows)],
                            out_hbm.at[pl.ds(row0, nrows), pl.ds(col0, _H)])
        _each_stripe(sid, cp)

    @pl.when(cid == 0)
    def _():
        wout(0)

    @pl.when(cid == 1)
    def _():
        wout(_H)


@functools.cache
def _sc_call():
    return pl.kernel(
        _sc_body,
        mesh=plsc.VectorSubcoreMesh(core_axis_name="c", subcore_axis_name="s",
                                    num_cores=_NC, num_subcores=_NS),
        out_type=jax.ShapeDtypeStruct((_N, _F), jnp.float32),
        scratch_types=[
            pltpu.VMEM((_NCHUNK, _CH), jnp.int32),
            pltpu.VMEM((_NCHUNK, _CH), jnp.int32),
            [pltpu.VMEM((_CH, _H), jnp.float32)] * _NB,
            pltpu.VMEM_SHARED((_ACC_ROWS, _H), jnp.float32),
            [pltpu.SemaphoreType.DMA] * _NB,
        ],
        compiler_params=pltpu.CompilerParams(use_tc_tiling_on_sc=False),
    )


def kernel(input, edge_index, weight):
    s0, s1 = _support(input, weight)
    dst = edge_index[0].reshape(_NS, _EDGES_PER_TILE)
    src = edge_index[1].reshape(_NS, _EDGES_PER_TILE)
    dst = jnp.pad(dst, ((0, 0), (0, _PAD)), constant_values=_N)
    src = jnp.pad(src, ((0, 0), (0, _PAD)), constant_values=0)
    dst = dst.reshape(_NS, _NCHUNK, _CH)
    src = src.reshape(_NS, _NCHUNK, _CH)
    zeros = jnp.zeros((_N, _H), dtype=jnp.float32)
    return _sc_call()(s0, s1, src, dst, zeros)

# --- scband reference (transcript-rebuilt; emitter-appended) ---
"""Pipeline reference for scband-qgcnlayer-88905823027436 (READ-ONLY COPY).

The authoritative reference and input builder live on the scoring server;
editing this copy changes nothing except your own understanding.
"""

import jax, jax.numpy as jnp
import numpy as np

N = 10000
E = 320000
IN_FEATURES = 128
OUT_FEATURES = 128


def t_o(n):
    m = np.zeros((n, n), dtype=np.float32)
    for i in range(n):
        m[i, i * 4 % n + i * 4 // n] = 1.0
    return jnp.asarray(m)

LEFT_MATRIX = t_o(IN_FEATURES)
RIGHT_MATRIX = t_o(OUT_FEATURES)


def make_quaternion_mul(kernel):
    dim = kernel.shape[1] // 4
    r = kernel[:, 0 * dim:1 * dim]
    i = kernel[:, 1 * dim:2 * dim]
    j = kernel[:, 2 * dim:3 * dim]
    k = kernel[:, 3 * dim:4 * dim]
    r2 = jnp.concatenate([r, -i, -j, -k], axis=1)
    i2 = jnp.concatenate([i, r, -k, j], axis=1)
    j2 = jnp.concatenate([j, k, r, -i], axis=1)
    k2 = jnp.concatenate([k, -j, i, r], axis=1)
    hamilton = jnp.concatenate([r2, i2, j2, k2], axis=0)
    return hamilton


def setup_inputs(seed: int = 0) -> dict:
    key = jax.random.key(seed)
    k1, k2, k3 = jax.random.split(key, 3)
    x = jax.random.normal(k1, (N, IN_FEATURES), dtype=jnp.float32)
    edge_index = jax.random.randint(k2, (2, E), 0, N, dtype=jnp.int32)
    stdv = float(np.sqrt(6.0 / (IN_FEATURES // 4 + OUT_FEATURES)))
    weight = jax.random.uniform(k3, (IN_FEATURES // 4, OUT_FEATURES), dtype=jnp.float32, minval=-stdv, maxval=stdv)
    return {"input": x, "edge_index": edge_index, "weight": weight}


def reference(input, edge_index, weight):
    # dropout p=0.0 -> identity (eval semantics)
    x = input
    hamilton = make_quaternion_mul(weight)
    # swap=True
    hamilton = LEFT_MATRIX.T @ hamilton @ RIGHT_MATRIX
    support = x @ hamilton  # [N, OUT]
    # spmm(adj, support): adj given as edge_index (row=dst, col=src), weights=1
    dst = edge_index[0]
    src = edge_index[1]
    gathered = jnp.take(support, src, axis=0)  # [E, OUT]
    output = jax.ops.segment_sum(gathered, dst, num_segments=N)
    # act is None
    return output

if __name__ == "__main__":
    import jax
    _d = setup_inputs()
    print(jax.jit(kernel)(*tuple(_d.values())))

</pallas_src>

<mosaic_0001>
#map = affine_map<(d0, d1) -> (0, 0)>
#map1 = affine_map<(d0, d1) -> (0, 0, 0)>
module attributes {stable_mosaic.version = 14 : i64} {
  func.func @_sc_body(%arg0: i32, %arg1: i32, %arg2: memref<10000x64xf32, #tpu.memory_space<hbm>>, %arg3: memref<10000x64xf32, #tpu.memory_space<hbm>>, %arg4: memref<16x228x88xi32, #tpu.memory_space<hbm>>, %arg5: memref<16x228x88xi32, #tpu.memory_space<hbm>>, %arg6: memref<10000x64xf32, #tpu.memory_space<hbm>>, %arg7: memref<10000x128xf32, #tpu.memory_space<hbm>>, %arg8: memref<228x88xi32, #tpu.memory_space<vmem>>, %arg9: memref<228x88xi32, #tpu.memory_space<vmem>>, %arg10: memref<88x64xf32, #tpu.memory_space<vmem>>, %arg11: memref<88x64xf32, #tpu.memory_space<vmem>>, %arg12: memref<88x64xf32, #tpu.memory_space<vmem>>, %arg13: memref<88x64xf32, #tpu.memory_space<vmem>>, %arg14: memref<88x64xf32, #tpu.memory_space<vmem>>, %arg15: memref<88x64xf32, #tpu.memory_space<vmem>>, %arg16: memref<10008x64xf32, #tpu.memory_space<vmem_shared>>, %arg17: memref<!tpu.dma_semaphore, #tpu.memory_space<semaphore_mem>>, %arg18: memref<!tpu.dma_semaphore, #tpu.memory_space<semaphore_mem>>, %arg19: memref<!tpu.dma_semaphore, #tpu.memory_space<semaphore_mem>>, %arg20: memref<!tpu.dma_semaphore, #tpu.memory_space<semaphore_mem>>, %arg21: memref<!tpu.dma_semaphore, #tpu.memory_space<semaphore_mem>>, %arg22: memref<!tpu.dma_semaphore, #tpu.memory_space<semaphore_mem>>) attributes {dimension_semantics = [#tpu.dimension_semantics<core_parallel>, #tpu.dimension_semantics<subcore_parallel>], iteration_bounds = array<i64: 2, 16>, scalar_prefetch = 0 : i64, scratch_operands = 15 : i64, tpu.core_type = #tpu.core_type<sc_vector_subcore>, window_params = [{transform_indices = #map}, {transform_indices = #map}, {transform_indices = #map1}, {transform_indices = #map1}, {transform_indices = #map}, {transform_indices = #map}]} {
    %lt3A = arith.constant 15 : i32
    %lt3A_0 = arith.cmpi slt, %arg1, %lt3A : i32
    %convert_element_type3A = arith.extui %lt3A_0 : i1 to i32
    %cond3A = arith.constant 0 : i32
    %cond3A_1 = arith.cmpi ne, %convert_element_type3A, %cond3A : i32
    scf.if %cond3A_1 {
      %mul3A = arith.constant 624 : i32
      %mul3A_27 = arith.muli %arg1, %mul3A : i32
      %multiple_of3A = tpu.assume_multiple %mul3A_27, 8 : i32
      "tpu.region"() ({
        %run_scoped3A = tpu.sem_alloc : memref<!tpu.dma_semaphore, #tpu.memory_space<semaphore_mem>>
        %dma_start3A = arith.constant 0 : i32
        %dma_start3A_28 = tpu.memref_slice %arg16[%multiple_of3A, %dma_start3A] : memref<10008x64xf32, #tpu.memory_space<vmem_shared>> -> memref<624x64xf32, #tpu.memory_space<vmem_shared>>
        %dma_start3A_29 = arith.constant 0 : i32
        %dma_start3A_30 = tpu.memref_slice %arg6[%multiple_of3A, %dma_start3A_29] : memref<10000x64xf32, #tpu.memory_space<hbm>> -> memref<624x64xf32, #tpu.memory_space<hbm>>
        tpu.enqueue_dma source(%dma_start3A_30 : memref<624x64xf32, #tpu.memory_space<hbm>>) target(%dma_start3A_28 : memref<624x64xf32, #tpu.memory_space<vmem_shared>>) target_semaphore(%run_scoped3A : memref<!tpu.dma_semaphore, #tpu.memory_space<semaphore_mem>>)
        %dma_wait3A = arith.constant 0 : i32
        %dma_wait3A_31 = tpu.memref_slice %arg16[%multiple_of3A, %dma_wait3A] : memref<10008x64xf32, #tpu.memory_space<vmem_shared>> -> memref<624x64xf32, #tpu.memory_space<vmem_shared>>
        %dma_wait3A_32 = arith.constant 0 : i32
        %dma_wait3A_33 = tpu.memref_slice %arg6[%multiple_of3A, %dma_wait3A_32] : memref<10000x64xf32, #tpu.memory_space<hbm>> -> memref<624x64xf32, #tpu.memory_space<hbm>>
        tpu.wait_dma2 semaphore(%run_scoped3A : memref<!tpu.dma_semaphore, #tpu.memory_space<semaphore_mem>>) src(%dma_wait3A_33 : memref<624x64xf32, #tpu.memory_space<hbm>>) dst(%dma_wait3A_31 : memref<624x64xf32, #tpu.memory_space<vmem_shared>>)
        tpu.yield
      }) : () -> ()
    } else {
    }
    %eq3A = arith.constant 15 : i32
    %eq3A_2 = arith.cmpi eq, %arg1, %eq3A : i32
    %convert_element_type3A_3 = arith.extui %eq3A_2 : i1 to i32
    %cond3A_4 = arith.constant 0 : i32
    %cond3A_5 = arith.cmpi ne, %convert_element_type3A_3, %cond3A_4 : i32
    scf.if %cond3A_5 {
      "tpu.region"() ({
        %run_scoped3A = tpu.sem_alloc : memref<!tpu.dma_semaphore, #tpu.memory_space<semaphore_mem>>
        %dma_start3A = arith.constant 9360 : i32
        %dma_start3A_27 = arith.constant 0 : i32
        %dma_start3A_28 = tpu.memref_slice %arg16[%dma_start3A, %dma_start3A_27] : memref<10008x64xf32, #tpu.memory_space<vmem_shared>> -> memref<640x64xf32, #tpu.memory_space<vmem_shared>>
        %dma_start3A_29 = arith.constant 9360 : i32
        %dma_start3A_30 = arith.constant 0 : i32
        %dma_start3A_31 = tpu.memref_slice %arg6[%dma_start3A_29, %dma_start3A_30] : memref<10000x64xf32, #tpu.memory_space<hbm>> -> memref<640x64xf32, #tpu.memory_space<hbm>>
        tpu.enqueue_dma source(%dma_start3A_31 : memref<640x64xf32, #tpu.memory_space<hbm>>) target(%dma_start3A_28 : memref<640x64xf32, #tpu.memory_space<vmem_shared>>) target_semaphore(%run_scoped3A : memref<!tpu.dma_semaphore, #tpu.memory_space<semaphore_mem>>)
        %dma_wait3A = arith.constant 9360 : i32
        %dma_wait3A_32 = arith.constant 0 : i32
        %dma_wait3A_33 = tpu.memref_slice %arg16[%dma_wait3A, %dma_wait3A_32] : memref<10008x64xf32, #tpu.memory_space<vmem_shared>> -> memref<640x64xf32, #tpu.memory_space<vmem_shared>>
        %dma_wait3A_34 = arith.constant 9360 : i32
        %dma_wait3A_35 = arith.constant 0 : i32
        %dma_wait3A_36 = tpu.memref_slice %arg6[%dma_wait3A_34, %dma_wait3A_35] : memref<10000x64xf32, #tpu.memory_space<hbm>> -> memref<640x64xf32, #tpu.memory_space<hbm>>
        tpu.wait_dma2 semaphore(%run_scoped3A : memref<!tpu.dma_semaphore, #tpu.memory_space<semaphore_mem>>) src(%dma_wait3A_36 : memref<640x64xf32, #tpu.memory_space<hbm>>) dst(%dma_wait3A_33 : memref<640x64xf32, #tpu.memory_space<vmem_shared>>)
        tpu.yield
      }) : () -> ()
    } else {
    }
    "tpu.region"() ({
      %run_scoped3A = tpu.sem_alloc : memref<!tpu.dma_semaphore, #tpu.memory_space<semaphore_mem>>
      %dma_start3A = arith.constant 0 : i32
      %dma_start3A_27 = arith.constant 0 : i32
      %dma_start3A_28 = tpu.memref_slice %arg4[%arg1, %dma_start3A, %dma_start3A_27] : memref<16x228x88xi32, #tpu.memory_space<hbm>> -> memref<1x228x88xi32, #tpu.memory_space<hbm>>
      %dma_start3A_29 = tpu.memref_squeeze %dma_start3A_28 : memref<1x228x88xi32, #tpu.memory_space<hbm>> -> memref<228x88xi32, #tpu.memory_space<hbm>>
      %dma_start3A_30 = arith.constant 0 : i32
      %dma_start3A_31 = arith.constant 0 : i32
      %dma_start3A_32 = tpu.memref_slice %arg4[%arg1, %dma_start3A_30, %dma_start3A_31] : memref<16x228x88xi32, #tpu.memory_space<hbm>> -> memref<1x228x88xi32, #tpu.memory_space<hbm>>
      %dma_start3A_33 = tpu.memref_squeeze %dma_start3A_32 : memref<1x228x88xi32, #tpu.memory_space<hbm>> -> memref<228x88xi32, #tpu.memory_space<hbm>>
      tpu.enqueue_dma source(%dma_start3A_33 : memref<228x88xi32, #tpu.memory_space<hbm>>) target(%arg8 : memref<228x88xi32, #tpu.memory_space<vmem>>) target_semaphore(%run_scoped3A : memref<!tpu.dma_semaphore, #tpu.memory_space<semaphore_mem>>)
      %dma_wait3A = arith.constant 0 : i32
      %dma_wait3A_34 = arith.constant 0 : i32
      %dma_wait3A_35 = tpu.memref_slice %arg4[%arg1, %dma_wait3A, %dma_wait3A_34] : memref<16x228x88xi32, #tpu.memory_space<hbm>> -> memref<1x228x88xi32, #tpu.memory_space<hbm>>
      %dma_wait3A_36 = tpu.memref_squeeze %dma_wait3A_35 : memref<1x228x88xi32, #tpu.memory_space<hbm>> -> memref<228x88xi32, #tpu.memory_space<hbm>>
      %dma_wait3A_37 = arith.constant 0 : i32
      %dma_wait3A_38 = arith.constant 0 : i32
      %dma_wait3A_39 = tpu.memref_slice %arg4[%arg1, %dma_wait3A_37, %dma_wait3A_38] : memref<16x228x88xi32, #tpu.memory_space<hbm>> -> memref<1x228x88xi32, #tpu.memory_space<hbm>>
      %dma_wait3A_40 = tpu.memref_squeeze %dma_wait3A_39 : memref<1x228x88xi32, #tpu.memory_space<hbm>> -> memref<228x88xi32, #tpu.memory_space<hbm>>
      tpu.wait_dma2 semaphore(%run_scoped3A : memref<!tpu.dma_semaphore, #tpu.memory_space<semaphore_mem>>) src(%dma_wait3A_40 : memref<228x88xi32, #tpu.memory_space<hbm>>) dst(%arg8 : memref<228x88xi32, #tpu.memory_space<vmem>>)
      tpu.yield
    }) : () -> ()
    "tpu.region"() ({
      %run_scoped3A = tpu.sem_alloc : memref<!tpu.dma_semaphore, #tpu.memory_space<semaphore_mem>>
      %dma_start3A = arith.constant 0 : i32
      %dma_start3A_27 = arith.constant 0 : i32
      %dma_start3A_28 = tpu.memref_slice %arg5[%arg1, %dma_start3A, %dma_start3A_27] : memref<16x228x88xi32, #tpu.memory_space<hbm>> -> memref<1x228x88xi32, #tpu.memory_space<hbm>>
      %dma_start3A_29 = tpu.memref_squeeze %dma_start3A_28 : memref<1x228x88xi32, #tpu.memory_space<hbm>> -> memref<228x88xi32, #tpu.memory_space<hbm>>
      %dma_start3A_30 = arith.constant 0 : i32
      %dma_start3A_31 = arith.constant 0 : i32
      %dma_start3A_32 = tpu.memref_slice %arg5[%arg1, %dma_start3A_30, %dma_start3A_31] : memref<16x228x88xi32, #tpu.memory_space<hbm>> -> memref<1x228x88xi32, #tpu.memory_space<hbm>>
      %dma_start3A_33 = tpu.memref_squeeze %dma_start3A_32 : memref<1x228x88xi32, #tpu.memory_space<hbm>> -> memref<228x88xi32, #tpu.memory_space<hbm>>
      tpu.enqueue_dma source(%dma_start3A_33 : memref<228x88xi32, #tpu.memory_space<hbm>>) target(%arg9 : memref<228x88xi32, #tpu.memory_space<vmem>>) target_semaphore(%run_scoped3A : memref<!tpu.dma_semaphore, #tpu.memory_space<semaphore_mem>>)
      %dma_wait3A = arith.constant 0 : i32
      %dma_wait3A_34 = arith.constant 0 : i32
      %dma_wait3A_35 = tpu.memref_slice %arg5[%arg1, %dma_wait3A, %dma_wait3A_34] : memref<16x228x88xi32, #tpu.memory_space<hbm>> -> memref<1x228x88xi32, #tpu.memory_space<hbm>>
      %dma_wait3A_36 = tpu.memref_squeeze %dma_wait3A_35 : memref<1x228x88xi32, #tpu.memory_space<hbm>> -> memref<228x88xi32, #tpu.memory_space<hbm>>
      %dma_wait3A_37 = arith.constant 0 : i32
      %dma_wait3A_38 = arith.constant 0 : i32
      %dma_wait3A_39 = tpu.memref_slice %arg5[%arg1, %dma_wait3A_37, %dma_wait3A_38] : memref<16x228x88xi32, #tpu.memory_space<hbm>> -> memref<1x228x88xi32, #tpu.memory_space<hbm>>
      %dma_wait3A_40 = tpu.memref_squeeze %dma_wait3A_39 : memref<1x228x88xi32, #tpu.memory_space<hbm>> -> memref<228x88xi32, #tpu.memory_space<hbm>>
      tpu.wait_dma2 semaphore(%run_scoped3A : memref<!tpu.dma_semaphore, #tpu.memory_space<semaphore_mem>>) src(%dma_wait3A_40 : memref<228x88xi32, #tpu.memory_space<hbm>>) dst(%arg9 : memref<228x88xi32, #tpu.memory_space<vmem>>)
      tpu.yield
    }) : () -> ()
    %barrier3A = arith.constant 0 : index
    tpu.barrier barrier_id(%barrier3A)
    %eq3A_6 = arith.constant 0 : i32
    %eq3A_7 = arith.cmpi eq, %arg0, %eq3A_6 : i32
    %convert_element_type3A_8 = arith.extui %eq3A_7 : i1 to i32
    %cond3A_9 = arith.constant 0 : i32
    %cond3A_10 = arith.cmpi ne, %convert_element_type3A_8, %cond3A_9 : i32
    scf.if %cond3A_10 {
      %dma_start3A = arith.constant 0 : i32
      %dma_start3A_27 = arith.constant 0 : i32
      %dma_start3A_28 = tpu.memref_slice %arg8[%dma_start3A, %dma_start3A_27] : memref<228x88xi32, #tpu.memory_space<vmem>> -> memref<1x88xi32, #tpu.memory_space<vmem>>
      %dma_start3A_29 = tpu.memref_squeeze %dma_start3A_28 : memref<1x88xi32, #tpu.memory_space<vmem>> -> memref<88xi32, #tpu.memory_space<vmem>>
      %dma_start3A_30 = arith.constant 0 : i32
      %dma_start3A_31 = arith.constant 0 : i32
      %dma_start3A_32 = tpu.memref_slice %arg2[%dma_start3A_30, %dma_start3A_31] : memref<10000x64xf32, #tpu.memory_space<hbm>> -> memref<10000x64xf32, #tpu.memory_space<hbm>>
      tpu.enqueue_indirect_dma source(%dma_start3A_32 : memref<10000x64xf32, #tpu.memory_space<hbm>>) target(%arg10 : memref<88x64xf32, #tpu.memory_space<vmem>>) offsets(%dma_start3A_29 : memref<88xi32, #tpu.memory_space<vmem>>) semaphore(%arg17 : memref<!tpu.dma_semaphore, #tpu.memory_space<semaphore_mem>>)
      %dma_start3A_33 = arith.constant 1 : i32
      %dma_start3A_34 = arith.constant 0 : i32
      %dma_start3A_35 = tpu.memref_slice %arg8[%dma_start3A_33, %dma_start3A_34] : memref<228x88xi32, #tpu.memory_space<vmem>> -> memref<1x88xi32, #tpu.memory_space<vmem>>
      %dma_start3A_36 = tpu.memref_squeeze %dma_start3A_35 : memref<1x88xi32, #tpu.memory_space<vmem>> -> memref<88xi32, #tpu.memory_space<vmem>>
      %dma_start3A_37 = arith.constant 0 : i32
      %dma_start3A_38 = arith.constant 0 : i32
      %dma_start3A_39 = tpu.memref_slice %arg2[%dma_start3A_37, %dma_start3A_38] : memref<10000x64xf32, #tpu.memory_space<hbm>> -> memref<10000x64xf32, #tpu.memory_space<hbm>>
      tpu.enqueue_indirect_dma source(%dma_start3A_39 : memref<10000x64xf32, #tpu.memory_space<hbm>>) target(%arg11 : memref<88x64xf32, #tpu.memory_space<vmem>>) offsets(%dma_start3A_36 : memref<88xi32, #tpu.memory_space<vmem>>) semaphore(%arg18 : memref<!tpu.dma_semaphore, #tpu.memory_space<semaphore_mem>>)
      %dma_start3A_40 = arith.constant 2 : i32
      %dma_start3A_41 = arith.constant 0 : i32
      %dma_start3A_42 = tpu.memref_slice %arg8[%dma_start3A_40, %dma_start3A_41] : memref<228x88xi32, #tpu.memory_space<vmem>> -> memref<1x88xi32, #tpu.memory_space<vmem>>
      %dma_start3A_43 = tpu.memref_squeeze %dma_start3A_42 : memref<1x88xi32, #tpu.memory_space<vmem>> -> memref<88xi32, #tpu.memory_space<vmem>>
      %dma_start3A_44 = arith.constant 0 : i32
      %dma_start3A_45 = arith.constant 0 : i32
      %dma_start3A_46 = tpu.memref_slice %arg2[%dma_start3A_44, %dma_start3A_45] : memref<10000x64xf32, #tpu.memory_space<hbm>> -> memref<10000x64xf32, #tpu.memory_space<hbm>>
      tpu.enqueue_indirect_dma source(%dma_start3A_46 : memref<10000x64xf32, #tpu.memory_space<hbm>>) target(%arg12 : memref<88x64xf32, #tpu.memory_space<vmem>>) offsets(%dma_start3A_43 : memref<88xi32, #tpu.memory_space<vmem>>) semaphore(%arg19 : memref<!tpu.dma_semaphore, #tpu.memory_space<semaphore_mem>>)
      %dma_start3A_47 = arith.constant 3 : i32
      %dma_start3A_48 = arith.constant 0 : i32
      %dma_start3A_49 = tpu.memref_slice %arg8[%dma_start3A_47, %dma_start3A_48] : memref<228x88xi32, #tpu.memory_space<vmem>> -> memref<1x88xi32, #tpu.memory_space<vmem>>
      %dma_start3A_50 = tpu.memref_squeeze %dma_start3A_49 : memref<1x88xi32, #tpu.memory_space<vmem>> -> memref<88xi32, #tpu.memory_space<vmem>>
      %dma_start3A_51 = arith.constant 0 : i32
      %dma_start3A_52 = arith.constant 0 : i32
      %dma_start3A_53 = tpu.memref_slice %arg2[%dma_start3A_51, %dma_start3A_52] : memref<10000x64xf32, #tpu.memory_space<hbm>> -> memref<10000x64xf32, #tpu.memory_space<hbm>>
      tpu.enqueue_indirect_dma source(%dma_start3A_53 : memref<10000x64xf32, #tpu.memory_space<hbm>>) target(%arg13 : memref<88x64xf32, #tpu.memory_space<vmem>>) offsets(%dma_start3A_50 : memref<88xi32, #tpu.memory_space<vmem>>) semaphore(%arg20 : memref<!tpu.dma_semaphore, #tpu.memory_space<semaphore_mem>>)
      %dma_start3A_54 = arith.constant 4 : i32
      %dma_start3A_55 = arith.constant 0 : i32
      %dma_start3A_56 = tpu.memref_slice %arg8[%dma_start3A_54, %dma_start3A_55] : memref<228x88xi32, #tpu.memory_space<vmem>> -> memref<1x88xi32, #tpu.memory_space<vmem>>
      %dma_start3A_57 = tpu.memref_squeeze %dma_start3A_56 : memref<1x88xi32, #tpu.memory_space<vmem>> -> memref<88xi32, #tpu.memory_space<vmem>>
      %dma_start3A_58 = arith.constant 0 : i32
      %dma_start3A_59 = arith.constant 0 : i32
      %dma_start3A_60 = tpu.memref_slice %arg2[%dma_start3A_58, %dma_start3A_59] : memref<10000x64xf32, #tpu.memory_space<hbm>> -> memref<10000x64xf32, #tpu.memory_space<hbm>>
      tpu.enqueue_indirect_dma source(%dma_start3A_60 : memref<10000x64xf32, #tpu.memory_space<hbm>>) target(%arg14 : memref<88x64xf32, #tpu.memory_space<vmem>>) offsets(%dma_start3A_57 : memref<88xi32, #tpu.memory_space<vmem>>) semaphore(%arg21 : memref<!tpu.dma_semaphore, #tpu.memory_space<semaphore_mem>>)
      %scan3A = arith.constant 0 : i32
      %scan3A_61 = arith.constant 0 : i32
      %scan3A_62 = arith.constant 38 : i32
      %scan3A_63 = arith.addi %scan3A_61, %scan3A_62 : i32
      %scan3A_64 = arith.constant 1 : i32
      scf.for %scan3A_66 = %scan3A_61 to %scan3A_63 step %scan3A_64  : i32 {
        %mul3A = arith.constant 6 : i32
        %mul3A_67 = arith.muli %scan3A_66, %mul3A : i32
        %add3A = arith.constant 0 : i32
        %add3A_68 = arith.addi %mul3A_67, %add3A : i32
        %dma_wait3A = arith.constant 0 : i32
        %dma_wait3A_69 = tpu.memref_slice %arg8[%add3A_68, %dma_wait3A] : memref<228x88xi32, #tpu.memory_space<vmem>> -> memref<1x88xi32, #tpu.memory_space<vmem>>
        %dma_wait3A_70 = tpu.memref_squeeze %dma_wait3A_69 : memref<1x88xi32, #tpu.memory_space<vmem>> -> memref<88xi32, #tpu.memory_space<vmem>>
        %dma_wait3A_71 = arith.constant 0 : i32
        %dma_wait3A_72 = arith.constant 0 : i32
        %dma_wait3A_73 = tpu.memref_slice %arg2[%dma_wait3A_71, %dma_wait3A_72] : memref<10000x64xf32, #tpu.memory_space<hbm>> -> memref<10000x64xf32, #tpu.memory_space<hbm>>
        tpu.wait_indirect_dma semaphore(%arg17 : memref<!tpu.dma_semaphore, #tpu.memory_space<semaphore_mem>>) src(%dma_wait3A_73 : memref<10000x64xf32, #tpu.memory_space<hbm>>) dst(%arg10 : memref<88x64xf32, #tpu.memory_space<vmem>>)
        %add3A_74 = arith.constant 6 : i32
        %add3A_75 = arith.addi %add3A_68, %add3A_74 : i32
        %sub3A = arith.constant 1 : i32
        %sub3A_76 = arith.subi %add3A_75, %sub3A : i32
        %lt3A_77 = arith.constant 228 : i32
        %lt3A_78 = arith.cmpi slt, %sub3A_76, %lt3A_77 : i32
        %convert_element_type3A_79 = arith.extui %lt3A_78 : i1 to i32
        %cond3A_80 = arith.constant 0 : i32
        %cond3A_81 = arith.cmpi ne, %convert_element_type3A_79, %cond3A_80 : i32
        scf.if %cond3A_81 {
          %add3A_167 = arith.constant 6 : i32
          %add3A_168 = arith.addi %add3A_68, %add3A_167 : i32
          %sub3A_169 = arith.constant 1 : i32
          %sub3A_170 = arith.subi %add3A_168, %sub3A_169 : i32
          %dma_start3A_171 = arith.constant 0 : i32
          %dma_start3A_172 = tpu.memref_slice %arg8[%sub3A_170, %dma_start3A_171] : memref<228x88xi32, #tpu.memory_space<vmem>> -> memref<1x88xi32, #tpu.memory_space<vmem>>
          %dma_start3A_173 = tpu.memref_squeeze %dma_start3A_172 : memref<1x88xi32, #tpu.memory_space<vmem>> -> memref<88xi32, #tpu.memory_space<vmem>>
          %dma_start3A_174 = arith.constant 0 : i32
          %dma_start3A_175 = arith.constant 0 : i32
          %dma_start3A_176 = tpu.memref_slice %arg2[%dma_start3A_174, %dma_start3A_175] : memref<10000x64xf32, #tpu.memory_space<hbm>> -> memref<10000x64xf32, #tpu.memory_space<hbm>>
          tpu.enqueue_indirect_dma source(%dma_start3A_176 : memref<10000x64xf32, #tpu.memory_space<hbm>>) target(%arg15 : memref<88x64xf32, #tpu.memory_space<vmem>>) offsets(%dma_start3A_173 : memref<88xi32, #tpu.memory_space<vmem>>) semaphore(%arg22 : memref<!tpu.dma_semaphore, #tpu.memory_space<semaphore_mem>>)
        } else {
        }
        "tpu.region"() ({
          %run_scoped3A = tpu.sem_alloc : memref<!tpu.dma_semaphore, #tpu.memory_space<semaphore_mem>>
          %dma_start3A_167 = arith.constant 0 : i32
          %dma_start3A_168 = tpu.memref_slice %arg9[%add3A_68, %dma_start3A_167] : memref<228x88xi32, #tpu.memory_space<vmem>> -> memref<1x88xi32, #tpu.memory_space<vmem>>
          %dma_start3A_169 = tpu.memref_squeeze %dma_start3A_168 : memref<1x88xi32, #tpu.memory_space<vmem>> -> memref<88xi32, #tpu.memory_space<vmem>>
          %dma_start3A_170 = arith.constant 0 : i32
          %dma_start3A_171 = arith.constant 0 : i32
          %dma_start3A_172 = tpu.memref_slice %arg16[%dma_start3A_170, %dma_start3A_171] : memref<10008x64xf32, #tpu.memory_space<vmem_shared>> -> memref<10008x64xf32, #tpu.memory_space<vmem_shared>>
          tpu.enqueue_indirect_dma source(%arg10 : memref<88x64xf32, #tpu.memory_space<vmem>>) target(%dma_start3A_172 : memref<10008x64xf32, #tpu.memory_space<vmem_shared>>) offsets(%dma_start3A_169 : memref<88xi32, #tpu.memory_space<vmem>>) semaphore(%run_scoped3A : memref<!tpu.dma_semaphore, #tpu.memory_space<semaphore_mem>>) {add = true}
          %dma_wait3A_173 = arith.constant 0 : i32
          %dma_wait3A_174 = tpu.memref_slice %arg9[%add3A_68, %dma_wait3A_173] : memref<228x88xi32, #tpu.memory_space<vmem>> -> memref<1x88xi32, #tpu.memory_space<vmem>>
          %dma_wait3A_175 = tpu.memref_squeeze %dma_wait3A_174 : memref<1x88xi32, #tpu.memory_space<vmem>> -> memref<88xi32, #tpu.memory_space<vmem>>
          %dma_wait3A_176 = arith.constant 0 : i32
          %dma_wait3A_177 = arith.constant 0 : i32
          %dma_wait3A_178 = tpu.memref_slice %arg16[%dma_wait3A_176, %dma_wait3A_177] : memref<10008x64xf32, #tpu.memory_space<vmem_shared>> -> memref<10008x64xf32, #tpu.memory_space<vmem_shared>>
          tpu.wait_indirect_dma semaphore(%run_scoped3A : memref<!tpu.dma_semaphore, #tpu.memory_space<semaphore_mem>>) src(%arg10 : memref<88x64xf32, #tpu.memory_space<vmem>>) dst(%dma_wait3A_178 : memref<10008x64xf32, #tpu.memory_space<vmem_shared>>)
          tpu.yield
        }) : () -> ()
        %add3A_82 = arith.constant 1 : i32
        %add3A_83 = arith.addi %mul3A_67, %add3A_82 : i32
        %dma_wait3A_84 = arith.constant 0 : i32
        %dma_wait3A_85 = tpu.memref_slice %arg8[%add3A_83, %dma_wait3A_84] : memref<228x88xi32, #tpu.memory_space<vmem>> -> memref<1x88xi32, #tpu.memory_space<vmem>>
        %dma_wait3A_86 = tpu.memref_squeeze %dma_wait3A_85 : memref<1x88xi32, #tpu.memory_space<vmem>> -> memref<88xi32, #tpu.memory_space<vmem>>
        %dma_wait3A_87 = arith.constant 0 : i32
        %dma_wait3A_88 = arith.constant 0 : i32
        %dma_wait3A_89 = tpu.memref_slice %arg2[%dma_wait3A_87, %dma_wait3A_88] : memref<10000x64xf32, #tpu.memory_space<hbm>> -> memref<10000x64xf32, #tpu.memory_space<hbm>>
        tpu.wait_indirect_dma semaphore(%arg18 : memref<!tpu.dma_semaphore, #tpu.memory_space<semaphore_mem>>) src(%dma_wait3A_89 : memref<10000x64xf32, #tpu.memory_space<hbm>>) dst(%arg11 : memref<88x64xf32, #tpu.memory_space<vmem>>)
        %add3A_90 = arith.constant 6 : i32
        %add3A_91 = arith.addi %add3A_83, %add3A_90 : i32
        %sub3A_92 = arith.constant 1 : i32
        %sub3A_93 = arith.subi %add3A_91, %sub3A_92 : i32
        %lt3A_94 = arith.constant 228 : i32
        %lt3A_95 = arith.cmpi slt, %sub3A_93, %lt3A_94 : i32
        %convert_element_type3A_96 = arith.extui %lt3A_95 : i1 to i32
        %cond3A_97 = arith.constant 0 : i32
        %cond3A_98 = arith.cmpi ne, %convert_element_type3A_96, %cond3A_97 : i32
        scf.if %cond3A_98 {
          %add3A_167 = arith.constant 6 : i32
          %add3A_168 = arith.addi %add3A_83, %add3A_167 : i32
          %sub3A_169 = arith.constant 1 : i32
          %sub3A_170 = arith.subi %add3A_168, %sub3A_169 : i32
          %dma_start3A_171 = arith.constant 0 : i32
          %dma_start3A_172 = tpu.memref_slice %arg8[%sub3A_170, %dma_start3A_171] : memref<228x88xi32, #tpu.memory_space<vmem>> -> memref<1x88xi32, #tpu.memory_space<vmem>>
          %dma_start3A_173 = tpu.memref_squeeze %dma_start3A_172 : memref<1x88xi32, #tpu.memory_space<vmem>> -> memref<88xi32, #tpu.memory_space<vmem>>
          %dma_start3A_174 = arith.constant 0 : i32
          %dma_start3A_175 = arith.constant 0 : i32
          %dma_start3A_176 = tpu.memref_slice %arg2[%dma_start3A_174, %dma_start3A_175] : memref<10000x64xf32, #tpu.memory_space<hbm>> -> memref<10000x64xf32, #tpu.memory_space<hbm>>
          tpu.enqueue_indirect_dma source(%dma_start3A_176 : memref<10000x64xf32, #tpu.memory_space<hbm>>) target(%arg10 : memref<88x64xf32, #tpu.memory_space<vmem>>) offsets(%dma_start3A_173 : memref<88xi32, #tpu.memory_space<vmem>>) semaphore(%arg17 : memref<!tpu.dma_semaphore, #tpu.memory_space<semaphore_mem>>)
        } else {
        }
        "tpu.region"() ({
          %run_scoped3A = tpu.sem_alloc : memref<!tpu.dma_semaphore, #tpu.memory_space<semaphore_mem>>
          %dma_start3A_167 = arith.constant 0 : i32
          %dma_start3A_168 = tpu.memref_slice %arg9[%add3A_83, %dma_start3A_167] : memref<228x88xi32, #tpu.memory_space<vmem>> -> memref<1x88xi32, #tpu.memory_space<vmem>>
          %dma_start3A_169 = tpu.memref_squeeze %dma_start3A_168 : memref<1x88xi32, #tpu.memory_space<vmem>> -> memref<88xi32, #tpu.memory_space<vmem>>
          %dma_start3A_170 = arith.constant 0 : i32
          %dma_start3A_171 = arith.constant 0 : i32
          %dma_start3A_172 = tpu.memref_slice %arg16[%dma_start3A_170, %dma_start3A_171] : memref<10008x64xf32, #tpu.memory_space<vmem_shared>> -> memref<10008x64xf32, #tpu.memory_space<vmem_shared>>
          tpu.enqueue_indirect_dma source(%arg11 : memref<88x64xf32, #tpu.memory_space<vmem>>) target(%dma_start3A_172 : memref<10008x64xf32, #tpu.memory_space<vmem_shared>>) offsets(%dma_start3A_169 : memref<88xi32, #tpu.memory_space<vmem>>) semaphore(%run_scoped3A : memref<!tpu.dma_semaphore, #tpu.memory_space<semaphore_mem>>) {add = true}
          %dma_wait3A_173 = arith.constant 0 : i32
          %dma_wait3A_174 = tpu.memref_slice %arg9[%add3A_83, %dma_wait3A_173] : memref<228x88xi32, #tpu.memory_space<vmem>> -> memref<1x88xi32, #tpu.memory_space<vmem>>
          %dma_wait3A_175 = tpu.memref_squeeze %dma_wait3A_174 : memref<1x88xi32, #tpu.memory_space<vmem>> -> memref<88xi32, #tpu.memory_space<vmem>>
          %dma_wait3A_176 = arith.constant 0 : i32
          %dma_wait3A_177 = arith.constant 0 : i32
          %dma_wait3A_178 = tpu.memref_slice %arg16[%dma_wait3A_176, %dma_wait3A_177] : memref<10008x64xf32, #tpu.memory_space<vmem_shared>> -> memref<10008x64xf32, #tpu.memory_space<vmem_shared>>
          tpu.wait_indirect_dma semaphore(%run_scoped3A : memref<!tpu.dma_semaphore, #tpu.memory_space<semaphore_mem>>) src(%arg11 : memref<88x64xf32, #tpu.memory_space<vmem>>) dst(%dma_wait3A_178 : memref<10008x64xf32, #tpu.memory_space<vmem_shared>>)
          tpu.yield
        }) : () -> ()
        %add3A_99 = arith.constant 2 : i32
        %add3A_100 = arith.addi %mul3A_67, %add3A_99 : i32
        %dma_wait3A_101 = arith.constant 0 : i32
        %dma_wait3A_102 = tpu.memref_slice %arg8[%add3A_100, %dma_wait3A_101] : memref<228x88xi32, #tpu.memory_space<vmem>> -> memref<1x88xi32, #tpu.memory_space<vmem>>
        %dma_wait3A_103 = tpu.memref_squeeze %dma_wait3A_102 : memref<1x88xi32, #tpu.memory_space<vmem>> -> memref<88xi32, #tpu.memory_space<vmem>>
        %dma_wait3A_104 = arith.constant 0 : i32
        %dma_wait3A_105 = arith.constant 0 : i32
        %dma_wait3A_106 = tpu.memref_slice %arg2[%dma_wait3A_104, %dma_wait3A_105] : memref<10000x64xf32, #tpu.memory_space<hbm>> -> memref<10000x64xf32, #tpu.memory_space<hbm>>
        tpu.wait_indirect_dma semaphore(%arg19 : memref<!tpu.dma_semaphore, #tpu.memory_space<semaphore_mem>>) src(%dma_wait3A_106 : memref<10000x64xf32, #tpu.memory_space<hbm>>) dst(%arg12 : memref<88x64xf32, #tpu.memory_space<vmem>>)
        %add3A_107 = arith.constant 6 : i32
        %add3A_108 = arith.addi %add3A_100, %add3A_107 : i32
        %sub3A_109 = arith.constant 1 : i32
        %sub3A_110 = arith.subi %add3A_108, %sub3A_109 : i32
        %lt3A_111 = arith.constant 228 : i32
        %lt3A_112 = arith.cmpi slt, %sub3A_110, %lt3A_111 : i32
        %convert_element_type3A_113 = arith.extui %lt3A_112 : i1 to i32
        %cond3A_114 = arith.constant 0 : i32
        %cond3A_115 = arith.cmpi ne, %convert_element_type3A_113, %cond3A_114 : i32
        scf.if %cond3A_115 {
          %add3A_167 = arith.constant 6 : i32
          %add3A_168 = arith.addi %add3A_100, %add3A_167 : i32
          %sub3A_169 = arith.constant 1 : i32
          %sub3A_170 = arith.subi %add3A_168, %sub3A_169 : i32
          %dma_start3A_171 = arith.constant 0 : i32
          %dma_start3A_172 = tpu.memref_slice %arg8[%sub3A_170, %dma_start3A_171] : memref<228x88xi32, #tpu.memory_space<vmem>> -> memref<1x88xi32, #tpu.memory_space<vmem>>
          %dma_start3A_173 = tpu.memref_squeeze %dma_start3A_172 : memref<1x88xi32, #tpu.memory_space<vmem>> -> memref<88xi32, #tpu.memory_space<vmem>>
          %dma_start3A_174 = arith.constant 0 : i32
          %dma_start3A_175 = arith.constant 0 : i32
          %dma_start3A_176 = tpu.memref_slice %arg2[%dma_start3A_174, %dma_start3A_175] : memref<10000x64xf32, #tpu.memory_space<hbm>> -> memref<10000x64xf32, #tpu.memory_space<hbm>>
          tpu.enqueue_indirect_dma source(%dma_start3A_176 : memref<10000x64xf32, #tpu.memory_space<hbm>>) target(%arg11 : memref<88x64xf32, #tpu.memory_space<vmem>>) offsets(%dma_start3A_173 : memref<88xi32, #tpu.memory_space<vmem>>) semaphore(%arg18 : memref<!tpu.dma_semaphore, #tpu.memory_space<semaphore_mem>>)
        } else {
        }
        "tpu.region"() ({
          %run_scoped3A = tpu.sem_alloc : memref<!tpu.dma_semaphore, #tpu.memory_space<semaphore_mem>>
          %dma_start3A_167 = arith.constant 0 : i32
          %dma_start3A_168 = tpu.memref_slice %arg9[%add3A_100, %dma_start3A_167] : memref<228x88xi32, #tpu.memory_space<vmem>> -> memref<1x88xi32, #tpu.memory_space<vmem>>
          %dma_start3A_169 = tpu.memref_squeeze %dma_start3A_168 : memref<1x88xi32, #tpu.memory_space<vmem>> -> memref<88xi32, #tpu.memory_space<vmem>>
          %dma_start3A_170 = arith.constant 0 : i32
          %dma_start3A_171 = arith.constant 0 : i32
          %dma_start3A_172 = tpu.memref_slice %arg16[%dma_start3A_170, %dma_start3A_171] : memref<10008x64xf32, #tpu.memory_space<vmem_shared>> -> memref<10008x64xf32, #tpu.memory_space<vmem_shared>>
          tpu.enqueue_indirect_dma source(%arg12 : memref<88x64xf32, #tpu.memory_space<vmem>>) target(%dma_start3A_172 : memref<10008x64xf32, #tpu.memory_space<vmem_shared>>) offsets(%dma_start3A_169 : memref<88xi32, #tpu.memory_space<vmem>>) semaphore(%run_scoped3A : memref<!tpu.dma_semaphore, #tpu.memory_space<semaphore_mem>>) {add = true}
          %dma_wait3A_173 = arith.constant 0 : i32
          %dma_wait3A_174 = tpu.memref_slice %arg9[%add3A_100, %dma_wait3A_173] : memref<228x88xi32, #tpu.memory_space<vmem>> -> memref<1x88xi32, #tpu.memory_space<vmem>>
          %dma_wait3A_175 = tpu.memref_squeeze %dma_wait3A_174 : memref<1x88xi32, #tpu.memory_space<vmem>> -> memref<88xi32, #tpu.memory_space<vmem>>
          %dma_wait3A_176 = arith.constant 0 : i32
          %dma_wait3A_177 = arith.constant 0 : i32
          %dma_wait3A_178 = tpu.memref_slice %arg16[%dma_wait3A_176, %dma_wait3A_177] : memref<10008x64xf32, #tpu.memory_space<vmem_shared>> -> memref<10008x64xf32, #tpu.memory_space<vmem_shared>>
          tpu.wait_indirect_dma semaphore(%run_scoped3A : memref<!tpu.dma_semaphore, #tpu.memory_space<semaphore_mem>>) src(%arg12 : memref<88x64xf32, #tpu.memory_space<vmem>>) dst(%dma_wait3A_178 : memref<10008x64xf32, #tpu.memory_space<vmem_shared>>)
          tpu.yield
        }) : () -> ()
        %add3A_116 = arith.constant 3 : i32
        %add3A_117 = arith.addi %mul3A_67, %add3A_116 : i32
        %dma_wait3A_118 = arith.constant 0 : i32
        %dma_wait3A_119 = tpu.memref_slice %arg8[%add3A_117, %dma_wait3A_118] : memref<228x88xi32, #tpu.memory_space<vmem>> -> memref<1x88xi32, #tpu.memory_space<vmem>>
        %dma_wait3A_120 = tpu.memref_squeeze %dma_wait3A_119 : memref<1x88xi32, #tpu.memory_space<vmem>> -> memref<88xi32, #tpu.memory_space<vmem>>
        %dma_wait3A_121 = arith.constant 0 : i32
        %dma_wait3A_122 = arith.constant 0 : i32
        %dma_wait3A_123 = tpu.memref_slice %arg2[%dma_wait3A_121, %dma_wait3A_122] : memref<10000x64xf32, #tpu.memory_space<hbm>> -> memref<10000x64xf32, #tpu.memory_space<hbm>>
        tpu.wait_indirect_dma semaphore(%arg20 : memref<!tpu.dma_semaphore, #tpu.memory_space<semaphore_mem>>) src(%dma_wait3A_123 : memref<10000x64xf32, #tpu.memory_space<hbm>>) dst(%arg13 : memref<88x64xf32, #tpu.memory_space<vmem>>)
        %add3A_124 = arith.constant 6 : i32
        %add3A_125 = arith.addi %add3A_117, %add3A_124 : i32
        %sub3A_126 = arith.constant 1 : i32
        %sub3A_127 = arith.subi %add3A_125, %sub3A_126 : i32
        %lt3A_128 = arith.constant 228 : i32
        %lt3A_129 = arith.cmpi slt, %sub3A_127, %lt3A_128 : i32
        %convert_element_type3A_130 = arith.extui %lt3A_129 : i1 to i32
        %cond3A_131 = arith.constant 0 : i32
        %cond3A_132 = arith.cmpi ne, %convert_element_type3A_130, %cond3A_131 : i32
        scf.if %cond3A_132 {
          %add3A_167 = arith.constant 6 : i32
          %add3A_168 = arith.addi %add3A_117, %add3A_167 : i32
          %sub3A_169 = arith.constant 1 : i32
          %sub3A_170 = arith.subi %add3A_168, %sub3A_169 : i32
          %dma_start3A_171 = arith.constant 0 : i32
          %dma_start3A_172 = tpu.memref_slice %arg8[%sub3A_170, %dma_start3A_171] : memref<228x88xi32, #tpu.memory_space<vmem>> -> memref<1x88xi32, #tpu.memory_space<vmem>>
          %dma_start3A_173 = tpu.memref_squeeze %dma_start3A_172 : memref<1x88xi32, #tpu.memory_space<vmem>> -> memref<88xi32, #tpu.memory_space<vmem>>
          %dma_start3A_174 = arith.constant 0 : i32
          %dma_start3A_175 = arith.constant 0 : i32
          %dma_start3A_176 = tpu.memref_slice %arg2[%dma_start3A_174, %dma_start3A_175] : memref<10000x64xf32, #tpu.memory_space<hbm>> -> memref<10000x64xf32, #tpu.memory_space<hbm>>
          tpu.enqueue_indirect_dma source(%dma_start3A_176 : memref<10000x64xf32, #tpu.memory_space<hbm>>) target(%arg12 : memref<88x64xf32, #tpu.memory_space<vmem>>) offsets(%dma_start3A_173 : memref<88xi32, #tpu.memory_space<vmem>>) semaphore(%arg19 : memref<!tpu.dma_semaphore, #tpu.memory_space<semaphore_mem>>)
        } else {
        }
        "tpu.region"() ({
          %run_scoped3A = tpu.sem_alloc : memref<!tpu.dma_semaphore, #tpu.memory_space<semaphore_mem>>
          %dma_start3A_167 = arith.constant 0 : i32
          %dma_start3A_168 = tpu.memref_slice %arg9[%add3A_117, %dma_start3A_167] : memref<228x88xi32, #tpu.memory_space<vmem>> -> memref<1x88xi32, #tpu.memory_space<vmem>>
          %dma_start3A_169 = tpu.memref_squeeze %dma_start3A_168 : memref<1x88xi32, #tpu.memory_space<vmem>> -> memref<88xi32, #tpu.memory_space<vmem>>
          %dma_start3A_170 = arith.constant 0 : i32
          %dma_start3A_171 = arith.constant 0 : i32
          %dma_start3A_172 = tpu.memref_slice %arg16[%dma_start3A_170, %dma_start3A_171] : memref<10008x64xf32, #tpu.memory_space<vmem_shared>> -> memref<10008x64xf32, #tpu.memory_space<vmem_shared>>
          tpu.enqueue_indirect_dma source(%arg13 : memref<88x64xf32, #tpu.memory_space<vmem>>) target(%dma_start3A_172 : memref<10008x64xf32, #tpu.memory_space<vmem_shared>>) offsets(%dma_start3A_169 : memref<88xi32, #tpu.memory_space<vmem>>) semaphore(%run_scoped3A : memref<!tpu.dma_semaphore, #tpu.memory_space<semaphore_mem>>) {add = true}
          %dma_wait3A_173 = arith.constant 0 : i32
          %dma_wait3A_174 = tpu.memref_slice %arg9[%add3A_117, %dma_wait3A_173] : memref<228x88xi32, #tpu.memory_space<vmem>> -> memref<1x88xi32, #tpu.memory_space<vmem>>
          %dma_wait3A_175 = tpu.memref_squeeze %dma_wait3A_174 : memref<1x88xi32, #tpu.memory_space<vmem>> -> memref<88xi32, #tpu.memory_space<vmem>>
          %dma_wait3A_176 = arith.constant 0 : i32
          %dma_wait3A_177 = arith.constant 0 : i32
          %dma_wait3A_178 = tpu.memref_slice %arg16[%dma_wait3A_176, %dma_wait3A_177] : memref<10008x64xf32, #tpu.memory_space<vmem_shared>> -> memref<10008x64xf32, #tpu.memory_space<vmem_shared>>
          tpu.wait_indirect_dma semaphore(%run_scoped3A : memref<!tpu.dma_semaphore, #tpu.memory_space<semaphore_mem>>) src(%arg13 : memref<88x64xf32, #tpu.memory_space<vmem>>) dst(%dma_wait3A_178 : memref<10008x64xf32, #tpu.memory_space<vmem_shared>>)
          tpu.yield
        }) : () -> ()
        %add3A_133 = arith.constant 4 : i32
        %add3A_134 = arith.addi %mul3A_67, %add3A_133 : i32
        %dma_wait3A_135 = arith.constant 0 : i32
        %dma_wait3A_136 = tpu.memref_slice %arg8[%add3A_134, %dma_wait3A_135] : memref<228x88xi32, #tpu.memory_space<vmem>> -> memref<1x88xi32, #tpu.memory_space<vmem>>
        %dma_wait3A_137 = tpu.memref_squeeze %dma_wait3A_136 : memref<1x88xi32, #tpu.memory_space<vmem>> -> memref<88xi32, #tpu.memory_space<vmem>>
        %dma_wait3A_138 = arith.constant 0 : i32
        %dma_wait3A_139 = arith.constant 0 : i32
        %dma_wait3A_140 = tpu.memref_slice %arg2[%dma_wait3A_138, %dma_wait3A_139] : memref<10000x64xf32, #tpu.memory_space<hbm>> -> memref<10000x64xf32, #tpu.memory_space<hbm>>
        tpu.wait_indirect_dma semaphore(%arg21 : memref<!tpu.dma_semaphore, #tpu.memory_space<semaphore_mem>>) src(%dma_wait3A_140 : memref<10000x64xf32, #tpu.memory_space<hbm>>) dst(%arg14 : memref<88x64xf32, #tpu.memory_space<vmem>>)
        %add3A_141 = arith.constant 6 : i32
        %add3A_142 = arith.addi %add3A_134, %add3A_141 : i32
        %sub3A_143 = arith.constant 1 : i32
        %sub3A_144 = arith.subi %add3A_142, %sub3A_143 : i32
        %lt3A_145 = arith.constant 228 : i32
        %lt3A_146 = arith.cmpi slt, %sub3A_144, %lt3A_145 : i32
        %convert_element_type3A_147 = arith.extui %lt3A_146 : i1 to i32
        %cond3A_148 = arith.constant 0 : i32
        %cond3A_149 = arith.cmpi ne, %convert_element_type3A_147, %cond3A_148 : i32
        scf.if %cond3A_149 {
          %add3A_167 = arith.constant 6 : i32
          %add3A_168 = arith.addi %add3A_134, %add3A_167 : i32
          %sub3A_169 = arith.constant 1 : i32
          %sub3A_170 = arith.subi %add3A_168, %sub3A_169 : i32
          %dma_start3A_171 = arith.constant 0 : i32
          %dma_start3A_172 = tpu.memref_slice %arg8[%sub3A_170, %dma_start3A_171] : memref<228x88xi32, #tpu.memory_space<vmem>> -> memref<1x88xi32, #tpu.memory_space<vmem>>
          %dma_start3A_173 = tpu.memref_squeeze %dma_start3A_172 : memref<1x88xi32, #tpu.memory_space<vmem>> -> memref<88xi32, #tpu.memory_space<vmem>>
          %dma_start3A_174 = arith.constant 0 : i32
          %dma_start3A_175 = arith.constant 0 : i32
          %dma_start3A_176 = tpu.memref_slice %arg2[%dma_start3A_174, %dma_start3A_175] : memref<10000x64xf32, #tpu.memory_space<hbm>> -> memref<10000x64xf32, #tpu.memory_space<hbm>>
          tpu.enqueue_indirect_dma source(%dma_start3A_176 : memref<10000x64xf32, #tpu.memory_space<hbm>>) target(%arg13 : memref<88x64xf32, #tpu.memory_space<vmem>>) offsets(%dma_start3A_173 : memref<88xi32, #tpu.memory_space<vmem>>) semaphore(%arg20 : memref<!tpu.dma_semaphore, #tpu.memory_space<semaphore_mem>>)
        } else {
        }
        "tpu.region"() ({
          %run_scoped3A = tpu.sem_alloc : memref<!tpu.dma_semaphore, #tpu.memory_space<semaphore_mem>>
          %dma_start3A_167 = arith.constant 0 : i32
          %dma_start3A_168 = tpu.memref_slice %arg9[%add3A_134, %dma_start3A_167] : memref<228x88xi32, #tpu.memory_space<vmem>> -> memref<1x88xi32, #tpu.memory_space<vmem>>
          %dma_start3A_169 = tpu.memref_squeeze %dma_start3A_168 : memref<1x88xi32, #tpu.memory_space<vmem>> -> memref<88xi32, #tpu.memory_space<vmem>>
          %dma_start3A_170 = arith.constant 0 : i32
          %dma_start3A_171 = arith.constant 0 : i32
          %dma_start3A_172 = tpu.memref_slice %arg16[%dma_start3A_170, %dma_start3A_171] : memref<10008x64xf32, #tpu.memory_space<vmem_shared>> -> memref<10008x64xf32, #tpu.memory_space<vmem_shared>>
          tpu.enqueue_indirect_dma source(%arg14 : memref<88x64xf32, #tpu.memory_space<vmem>>) target(%dma_start3A_172 : memref<10008x64xf32, #tpu.memory_space<vmem_shared>>) offsets(%dma_start3A_169 : memref<88xi32, #tpu.memory_space<vmem>>) semaphore(%run_scoped3A : memref<!tpu.dma_semaphore, #tpu.memory_space<semaphore_mem>>) {add = true}
          %dma_wait3A_173 = arith.constant 0 : i32
          %dma_wait3A_174 = tpu.memref_slice %arg9[%add3A_134, %dma_wait3A_173] : memref<228x88xi32, #tpu.memory_space<vmem>> -> memref<1x88xi32, #tpu.memory_space<vmem>>
          %dma_wait3A_175 = tpu.memref_squeeze %dma_wait3A_174 : memref<1x88xi32, #tpu.memory_space<vmem>> -> memref<88xi32, #tpu.memory_space<vmem>>
          %dma_wait3A_176 = arith.constant 0 : i32
          %dma_wait3A_177 = arith.constant 0 : i32
          %dma_wait3A_178 = tpu.memref_slice %arg16[%dma_wait3A_176, %dma_wait3A_177] : memref<10008x64xf32, #tpu.memory_space<vmem_shared>> -> memref<10008x64xf32, #tpu.memory_space<vmem_shared>>
          tpu.wait_indirect_dma semaphore(%run_scoped3A : memref<!tpu.dma_semaphore, #tpu.memory_space<semaphore_mem>>) src(%arg14 : memref<88x64xf32, #tpu.memory_space<vmem>>) dst(%dma_wait3A_178 : memref<10008x64xf32, #tpu.memory_space<vmem_shared>>)
          tpu.yield
        }) : () -> ()
        %add3A_150 = arith.constant 5 : i32
        %add3A_151 = arith.addi %mul3A_67, %add3A_150 : i32
        %dma_wait3A_152 = arith.constant 0 : i32
        %dma_wait3A_153 = tpu.memref_slice %arg8[%add3A_151, %dma_wait3A_152] : memref<228x88xi32, #tpu.memory_space<vmem>> -> memref<1x88xi32, #tpu.memory_space<vmem>>
        %dma_wait3A_154 = tpu.memref_squeeze %dma_wait3A_153 : memref<1x88xi32, #tpu.memory_space<vmem>> -> memref<88xi32, #tpu.memory_space<vmem>>
        %dma_wait3A_155 = arith.constant 0 : i32
        %dma_wait3A_156 = arith.constant 0 : i32
        %dma_wait3A_157 = tpu.memref_slice %arg2[%dma_wait3A_155, %dma_wait3A_156] : memref<10000x64xf32, #tpu.memory_space<hbm>> -> memref<10000x64xf32, #tpu.memory_space<hbm>>
        tpu.wait_indirect_dma semaphore(%arg22 : memref<!tpu.dma_semaphore, #tpu.memory_space<semaphore_mem>>) src(%dma_wait3A_157 : memref<10000x64xf32, #tpu.memory_space<hbm>>) dst(%arg15 : memref<88x64xf32, #tpu.memory_space<vmem>>)
        %add3A_158 = arith.constant 6 : i32
        %add3A_159 = arith.addi %add3A_151, %add3A_158 : i32
        %sub3A_160 = arith.constant 1 : i32
        %sub3A_161 = arith.subi %add3A_159, %sub3A_160 : i32
        %lt3A_162 = arith.constant 228 : i32
        %lt3A_163 = arith.cmpi slt, %sub3A_161, %lt3A_162 : i32
        %convert_element_type3A_164 = arith.extui %lt3A_163 : i1 to i32
        %cond3A_165 = arith.constant 0 : i32
        %cond3A_166 = arith.cmpi ne, %convert_element_type3A_164, %cond3A_165 : i32
        scf.if %cond3A_166 {
          %add3A_167 = arith.constant 6 : i32
          %add3A_168 = arith.addi %add3A_151, %add3A_167 : i32
          %sub3A_169 = arith.constant 1 : i32
          %sub3A_170 = arith.subi %add3A_168, %sub3A_169 : i32
          %dma_start3A_171 = arith.constant 0 : i32
          %dma_start3A_172 = tpu.memref_slice %arg8[%sub3A_170, %dma_start3A_171] : memref<228x88xi32, #tpu.memory_space<vmem>> -> memref<1x88xi32, #tpu.memory_space<vmem>>
          %dma_start3A_173 = tpu.memref_squeeze %dma_start3A_172 : memref<1x88xi32, #tpu.memory_space<vmem>> -> memref<88xi32, #tpu.memory_space<vmem>>
          %dma_start3A_174 = arith.constant 0 : i32
          %dma_start3A_175 = arith.constant 0 : i32
          %dma_start3A_176 = tpu.memref_slice %arg2[%dma_start3A_174, %dma_start3A_175] : memref<10000x64xf32, #tpu.memory_space<hbm>> -> memref<10000x64xf32, #tpu.memory_space<hbm>>
          tpu.enqueue_indirect_dma source(%dma_start3A_176 : memref<10000x64xf32, #tpu.memory_space<hbm>>) target(%arg14 : memref<88x64xf32, #tpu.memory_space<vmem>>) offsets(%dma_start3A_173 : memref<88xi32, #tpu.memory_space<vmem>>) semaphore(%arg21 : memref<!tpu.dma_semaphore, #tpu.memory_space<semaphore_mem>>)
        } else {
        }
        "tpu.region"() ({
          %run_scoped3A = tpu.sem_alloc : memref<!tpu.dma_semaphore, #tpu.memory_space<semaphore_mem>>
          %dma_start3A_167 = arith.constant 0 : i32
          %dma_start3A_168 = tpu.memref_slice %arg9[%add3A_151, %dma_start3A_167] : memref<228x88xi32, #tpu.memory_space<vmem>> -> memref<1x88xi32, #tpu.memory_space<vmem>>
          %dma_start3A_169 = tpu.memref_squeeze %dma_start3A_168 : memref<1x88xi32, #tpu.memory_space<vmem>> -> memref<88xi32, #tpu.memory_space<vmem>>
          %dma_start3A_170 = arith.constant 0 : i32
          %dma_start3A_171 = arith.constant 0 : i32
          %dma_start3A_172 = tpu.memref_slice %arg16[%dma_start3A_170, %dma_start3A_171] : memref<10008x64xf32, #tpu.memory_space<vmem_shared>> -> memref<10008x64xf32, #tpu.memory_space<vmem_shared>>
          tpu.enqueue_indirect_dma source(%arg15 : memref<88x64xf32, #tpu.memory_space<vmem>>) target(%dma_start3A_172 : memref<10008x64xf32, #tpu.memory_space<vmem_shared>>) offsets(%dma_start3A_169 : memref<88xi32, #tpu.memory_space<vmem>>) semaphore(%run_scoped3A : memref<!tpu.dma_semaphore, #tpu.memory_space<semaphore_mem>>) {add = true}
          %dma_wait3A_173 = arith.constant 0 : i32
          %dma_wait3A_174 = tpu.memref_slice %arg9[%add3A_151, %dma_wait3A_173] : memref<228x88xi32, #tpu.memory_space<vmem>> -> memref<1x88xi32, #tpu.memory_space<vmem>>
          %dma_wait3A_175 = tpu.memref_squeeze %dma_wait3A_174 : memref<1x88xi32, #tpu.memory_space<vmem>> -> memref<88xi32, #tpu.memory_space<vmem>>
          %dma_wait3A_176 = arith.constant 0 : i32
          %dma_wait3A_177 = arith.constant 0 : i32
          %dma_wait3A_178 = tpu.memref_slice %arg16[%dma_wait3A_176, %dma_wait3A_177] : memref<10008x64xf32, #tpu.memory_space<vmem_shared>> -> memref<10008x64xf32, #tpu.memory_space<vmem_shared>>
          tpu.wait_indirect_dma semaphore(%run_scoped3A : memref<!tpu.dma_semaphore, #tpu.memory_space<semaphore_mem>>) src(%arg15 : memref<88x64xf32, #tpu.memory_space<vmem>>) dst(%dma_wait3A_178 : memref<10008x64xf32, #tpu.memory_space<vmem_shared>>)
          tpu.yield
        }) : () -> ()
      }
      %scan3A_65 = arith.constant 38 : i32
    } else {
    }
    %eq3A_11 = arith.constant 1 : i32
    %eq3A_12 = arith.cmpi eq, %arg0, %eq3A_11 : i32
    %convert_element_type3A_13 = arith.extui %eq3A_12 : i1 to i32
    %cond3A_14 = arith.constant 0 : i32
    %cond3A_15 = arith.cmpi ne, %convert_element_type3A_13, %cond3A_14 : i32
    scf.if %cond3A_15 {
      %dma_start3A = arith.constant 0 : i32
      %dma_start3A_27 = arith.constant 0 : i32
      %dma_start3A_28 = tpu.memref_slice %arg8[%dma_start3A, %dma_start3A_27] : memref<228x88xi32, #tpu.memory_space<vmem>> -> memref<1x88xi32, #tpu.memory_space<vmem>>
      %dma_start3A_29 = tpu.memref_squeeze %dma_start3A_28 : memref<1x88xi32, #tpu.memory_space<vmem>> -> memref<88xi32, #tpu.memory_space<vmem>>
      %dma_start3A_30 = arith.constant 0 : i32
      %dma_start3A_31 = arith.constant 0 : i32
      %dma_start3A_32 = tpu.memref_slice %arg3[%dma_start3A_30, %dma_start3A_31] : memref<10000x64xf32, #tpu.memory_space<hbm>> -> memref<10000x64xf32, #tpu.memory_space<hbm>>
      tpu.enqueue_indirect_dma source(%dma_start3A_32 : memref<10000x64xf32, #tpu.memory_space<hbm>>) target(%arg10 : memref<88x64xf32, #tpu.memory_space<vmem>>) offsets(%dma_start3A_29 : memref<88xi32, #tpu.memory_space<vmem>>) semaphore(%arg17 : memref<!tpu.dma_semaphore, #tpu.memory_space<semaphore_mem>>)
      %dma_start3A_33 = arith.constant 1 : i32
      %dma_start3A_34 = arith.constant 0 : i32
      %dma_start3A_35 = tpu.memref_slice %arg8[%dma_start3A_33, %dma_start3A_34] : memref<228x88xi32, #tpu.memory_space<vmem>> -> memref<1x88xi32, #tpu.memory_space<vmem>>
      %dma_start3A_36 = tpu.memref_squeeze %dma_start3A_35 : memref<1x88xi32, #tpu.memory_space<vmem>> -> memref<88xi32, #tpu.memory_space<vmem>>
      %dma_start3A_37 = arith.constant 0 : i32
      %dma_start3A_38 = arith.constant 0 : i32
      %dma_start3A_39 = tpu.memref_slice %arg3[%dma_start3A_37, %dma_start3A_38] : memref<10000x64xf32, #tpu.memory_space<hbm>> -> memref<10000x64xf32, #tpu.memory_space<hbm>>
      tpu.enqueue_indirect_dma source(%dma_start3A_39 : memref<10000x64xf32, #tpu.memory_space<hbm>>) target(%arg11 : memref<88x64xf32, #tpu.memory_space<vmem>>) offsets(%dma_start3A_36 : memref<88xi32, #tpu.memory_space<vmem>>) semaphore(%arg18 : memref<!tpu.dma_semaphore, #tpu.memory_space<semaphore_mem>>)
      %dma_start3A_40 = arith.constant 2 : i32
      %dma_start3A_41 = arith.constant 0 : i32
      %dma_start3A_42 = tpu.memref_slice %arg8[%dma_start3A_40, %dma_start3A_41] : memref<228x88xi32, #tpu.memory_space<vmem>> -> memref<1x88xi32, #tpu.memory_space<vmem>>
      %dma_start3A_43 = tpu.memref_squeeze %dma_start3A_42 : memref<1x88xi32, #tpu.memory_space<vmem>> -> memref<88xi32, #tpu.memory_space<vmem>>
      %dma_start3A_44 = arith.constant 0 : i32
      %dma_start3A_45 = arith.constant 0 : i32
      %dma_start3A_46 = tpu.memref_slice %arg3[%dma_start3A_44, %dma_start3A_45] : memref<10000x64xf32, #tpu.memory_space<hbm>> -> memref<10000x64xf32, #tpu.memory_space<hbm>>
      tpu.enqueue_indirect_dma source(%dma_start3A_46 : memref<10000x64xf32, #tpu.memory_space<hbm>>) target(%arg12 : memref<88x64xf32, #tpu.memory_space<vmem>>) offsets(%dma_start3A_43 : memref<88xi32, #tpu.memory_space<vmem>>) semaphore(%arg19 : memref<!tpu.dma_semaphore, #tpu.memory_space<semaphore_mem>>)
      %dma_start3A_47 = arith.constant 3 : i32
      %dma_start3A_48 = arith.constant 0 : i32
      %dma_start3A_49 = tpu.memref_slice %arg8[%dma_start3A_47, %dma_start3A_48] : memref<228x88xi32, #tpu.memory_space<vmem>> -> memref<1x88xi32, #tpu.memory_space<vmem>>
      %dma_start3A_50 = tpu.memref_squeeze %dma_start3A_49 : memref<1x88xi32, #tpu.memory_space<vmem>> -> memref<88xi32, #tpu.memory_space<vmem>>
      %dma_start3A_51 = arith.constant 0 : i32
      %dma_start3A_52 = arith.constant 0 : i32
      %dma_start3A_53 = tpu.memref_slice %arg3[%dma_start3A_51, %dma_start3A_52] : memref<10000x64xf32, #tpu.memory_space<hbm>> -> memref<10000x64xf32, #tpu.memory_space<hbm>>
      tpu.enqueue_indirect_dma source(%dma_start3A_53 : memref<10000x64xf32, #tpu.memory_space<hbm>>) target(%arg13 : memref<88x64xf32, #tpu.memory_space<vmem>>) offsets(%dma_start3A_50 : memref<88xi32, #tpu.memory_space<vmem>>) semaphore(%arg20 : memref<!tpu.dma_semaphore, #tpu.memory_space<semaphore_mem>>)
      %dma_start3A_54 = arith.constant 4 : i32
      %dma_start3A_55 = arith.constant 0 : i32
      %dma_start3A_56 = tpu.memref_slice %arg8[%dma_start3A_54, %dma_start3A_55] : memref<228x88xi32, #tpu.memory_space<vmem>> -> memref<1x88xi32, #tpu.memory_space<vmem>>
      %dma_start3A_57 = tpu.memref_squeeze %dma_start3A_56 : memref<1x88xi32, #tpu.memory_space<vmem>> -> memref<88xi32, #tpu.memory_space<vmem>>
      %dma_start3A_58 = arith.constant 0 : i32
      %dma_start3A_59 = arith.constant 0 : i32
      %dma_start3A_60 = tpu.memref_slice %arg3[%dma_start3A_58, %dma_start3A_59] : memref<10000x64xf32, #tpu.memory_space<hbm>> -> memref<10000x64xf32, #tpu.memory_space<hbm>>
      tpu.enqueue_indirect_dma source(%dma_start3A_60 : memref<10000x64xf32, #tpu.memory_space<hbm>>) target(%arg14 : memref<88x64xf32, #tpu.memory_space<vmem>>) offsets(%dma_start3A_57 : memref<88xi32, #tpu.memory_space<vmem>>) semaphore(%arg21 : memref<!tpu.dma_semaphore, #tpu.memory_space<semaphore_mem>>)
      %scan3A = arith.constant 0 : i32
      %scan3A_61 = arith.constant 0 : i32
      %scan3A_62 = arith.constant 38 : i32
      %scan3A_63 = arith.addi %scan3A_61, %scan3A_62 : i32
      %scan3A_64 = arith.constant 1 : i32
      scf.for %scan3A_66 = %scan3A_61 to %scan3A_63 step %scan3A_64  : i32 {
        %mul3A = arith.constant 6 : i32
        %mul3A_67 = arith.muli %scan3A_66, %mul3A : i32
        %add3A = arith.constant 0 : i32
        %add3A_68 = arith.addi %mul3A_67, %add3A : i32
        %dma_wait3A = arith.constant 0 : i32
        %dma_wait3A_69 = tpu.memref_slice %arg8[%add3A_68, %dma_wait3A] : memref<228x88xi32, #tpu.memory_space<vmem>> -> memref<1x88xi32, #tpu.memory_space<vmem>>
        %dma_wait3A_70 = tpu.memref_squeeze %dma_wait3A_69 : memref<1x88xi32, #tpu.memory_space<vmem>> -> memref<88xi32, #tpu.memory_space<vmem>>
        %dma_wait3A_71 = arith.constant 0 : i32
        %dma_wait3A_72 = arith.constant 0 : i32
        %dma_wait3A_73 = tpu.memref_slice %arg3[%dma_wait3A_71, %dma_wait3A_72] : memref<10000x64xf32, #tpu.memory_space<hbm>> -> memref<10000x64xf32, #tpu.memory_space<hbm>>
        tpu.wait_indirect_dma semaphore(%arg17 : memref<!tpu.dma_semaphore, #tpu.memory_space<semaphore_mem>>) src(%dma_wait3A_73 : memref<10000x64xf32, #tpu.memory_space<hbm>>) dst(%arg10 : memref<88x64xf32, #tpu.memory_space<vmem>>)
        %add3A_74 = arith.constant 6 : i32
        %add3A_75 = arith.addi %add3A_68, %add3A_74 : i32
        %sub3A = arith.constant 1 : i32
        %sub3A_76 = arith.subi %add3A_75, %sub3A : i32
        %lt3A_77 = arith.constant 228 : i32
        %lt3A_78 = arith.cmpi slt, %sub3A_76, %lt3A_77 : i32
        %convert_element_type3A_79 = arith.extui %lt3A_78 : i1 to i32
        %cond3A_80 = arith.constant 0 : i32
        %cond3A_81 = arith.cmpi ne, %convert_element_type3A_79, %cond3A_80 : i32
        scf.if %cond3A_81 {
          %add3A_167 = arith.constant 6 : i32
          %add3A_168 = arith.addi %add3A_68, %add3A_167 : i32
          %sub3A_169 = arith.constant 1 : i32
          %sub3A_170 = arith.subi %add3A_168, %sub3A_169 : i32
          %dma_start3A_171 = arith.constant 0 : i32
          %dma_start3A_172 = tpu.memref_slice %arg8[%sub3A_170, %dma_start3A_171] : memref<228x88xi32, #tpu.memory_space<vmem>> -> memref<1x88xi32, #tpu.memory_space<vmem>>
          %dma_start3A_173 = tpu.memref_squeeze %dma_start3A_172 : memref<1x88xi32, #tpu.memory_space<vmem>> -> memref<88xi32, #tpu.memory_space<vmem>>
          %dma_start3A_174 = arith.constant 0 : i32
          %dma_start3A_175 = arith.constant 0 : i32
          %dma_start3A_176 = tpu.memref_slice %arg3[%dma_start3A_174, %dma_start3A_175] : memref<10000x64xf32, #tpu.memory_space<hbm>> -> memref<10000x64xf32, #tpu.memory_space<hbm>>
          tpu.enqueue_indirect_dma source(%dma_start3A_176 : memref<10000x64xf32, #tpu.memory_space<hbm>>) target(%arg15 : memref<88x64xf32, #tpu.memory_space<vmem>>) offsets(%dma_start3A_173 : memref<88xi32, #tpu.memory_space<vmem>>) semaphore(%arg22 : memref<!tpu.dma_semaphore, #tpu.memory_space<semaphore_mem>>)
        } else {
        }
        "tpu.region"() ({
          %run_scoped3A = tpu.sem_alloc : memref<!tpu.dma_semaphore, #tpu.memory_space<semaphore_mem>>
          %dma_start3A_167 = arith.constant 0 : i32
          %dma_start3A_168 = tpu.memref_slice %arg9[%add3A_68, %dma_start3A_167] : memref<228x88xi32, #tpu.memory_space<vmem>> -> memref<1x88xi32, #tpu.memory_space<vmem>>
          %dma_start3A_169 = tpu.memref_squeeze %dma_start3A_168 : memref<1x88xi32, #tpu.memory_space<vmem>> -> memref<88xi32, #tpu.memory_space<vmem>>
          %dma_start3A_170 = arith.constant 0 : i32
          %dma_start3A_171 = arith.constant 0 : i32
          %dma_start3A_172 = tpu.memref_slice %arg16[%dma_start3A_170, %dma_start3A_171] : memref<10008x64xf32, #tpu.memory_space<vmem_shared>> -> memref<10008x64xf32, #tpu.memory_space<vmem_shared>>
          tpu.enqueue_indirect_dma source(%arg10 : memref<88x64xf32, #tpu.memory_space<vmem>>) target(%dma_start3A_172 : memref<10008x64xf32, #tpu.memory_space<vmem_shared>>) offsets(%dma_start3A_169 : memref<88xi32, #tpu.memory_space<vmem>>) semaphore(%run_scoped3A : memref<!tpu.dma_semaphore, #tpu.memory_space<semaphore_mem>>) {add = true}
          %dma_wait3A_173 = arith.constant 0 : i32
          %dma_wait3A_174 = tpu.memref_slice %arg9[%add3A_68, %dma_wait3A_173] : memref<228x88xi32, #tpu.memory_space<vmem>> -> memref<1x88xi32, #tpu.memory_space<vmem>>
          %dma_wait3A_175 = tpu.memref_squeeze %dma_wait3A_174 : memref<1x88xi32, #tpu.memory_space<vmem>> -> memref<88xi32, #tpu.memory_space<vmem>>
          %dma_wait3A_176 = arith.constant 0 : i32
          %dma_wait3A_177 = arith.constant 0 : i32
          %dma_wait3A_178 = tpu.memref_slice %arg16[%dma_wait3A_176, %dma_wait3A_177] : memref<10008x64xf32, #tpu.memory_space<vmem_shared>> -> memref<10008x64xf32, #tpu.memory_space<vmem_shared>>
          tpu.wait_indirect_dma semaphore(%run_scoped3A : memref<!tpu.dma_semaphore, #tpu.memory_space<semaphore_mem>>) src(%arg10 : memref<88x64xf32, #tpu.memory_space<vmem>>) dst(%dma_wait3A_178 : memref<10008x64xf32, #tpu.memory_space<vmem_shared>>)
          tpu.yield
        }) : () -> ()
        %add3A_82 = arith.constant 1 : i32
        %add3A_83 = arith.addi %mul3A_67, %add3A_82 : i32
        %dma_wait3A_84 = arith.constant 0 : i32
        %dma_wait3A_85 = tpu.memref_slice %arg8[%add3A_83, %dma_wait3A_84] : memref<228x88xi32, #tpu.memory_space<vmem>> -> memref<1x88xi32, #tpu.memory_space<vmem>>
        %dma_wait3A_86 = tpu.memref_squeeze %dma_wait3A_85 : memref<1x88xi32, #tpu.memory_space<vmem>> -> memref<88xi32, #tpu.memory_space<vmem>>
        %dma_wait3A_87 = arith.constant 0 : i32
        %dma_wait3A_88 = arith.constant 0 : i32
        %dma_wait3A_89 = tpu.memref_slice %arg3[%dma_wait3A_87, %dma_wait3A_88] : memref<10000x64xf32, #tpu.memory_space<hbm>> -> memref<10000x64xf32, #tpu.memory_space<hbm>>
        tpu.wait_indirect_dma semaphore(%arg18 : memref<!tpu.dma_semaphore, #tpu.memory_space<semaphore_mem>>) src(%dma_wait3A_89 : memref<10000x64xf32, #tpu.memory_space<hbm>>) dst(%arg11 : memref<88x64xf32, #tpu.memory_space<vmem>>)
        %add3A_90 = arith.constant 6 : i32
        %add3A_91 = arith.addi %add3A_83, %add3A_90 : i32
        %sub3A_92 = arith.constant 1 : i32
        %sub3A_93 = arith.subi %add3A_91, %sub3A_92 : i32
        %lt3A_94 = arith.constant 228 : i32
        %lt3A_95 = arith.cmpi slt, %sub3A_93, %lt3A_94 : i32
        %convert_element_type3A_96 = arith.extui %lt3A_95 : i1 to i32
        %cond3A_97 = arith.constant 0 : i32
        %cond3A_98 = arith.cmpi ne, %convert_element_type3A_96, %cond3A_97 : i32
        scf.if %cond3A_98 {
          %add3A_167 = arith.constant 6 : i32
          %add3A_168 = arith.addi %add3A_83, %add3A_167 : i32
          %sub3A_169 = arith.constant 1 : i32
          %sub3A_170 = arith.subi %add3A_168, %sub3A_169 : i32
          %dma_start3A_171 = arith.constant 0 : i32
          %dma_start3A_172 = tpu.memref_slice %arg8[%sub3A_170, %dma_start3A_171] : memref<228x88xi32, #tpu.memory_space<vmem>> -> memref<1x88xi32, #tpu.memory_space<vmem>>
          %dma_start3A_173 = tpu.memref_squeeze %dma_start3A_172 : memref<1x88xi32, #tpu.memory_space<vmem>> -> memref<88xi32, #tpu.memory_space<vmem>>
          %dma_start3A_174 = arith.constant 0 : i32
          %dma_start3A_175 = arith.constant 0 : i32
          %dma_start3A_176 = tpu.memref_slice %arg3[%dma_start3A_174, %dma_start3A_175] : memref<10000x64xf32, #tpu.memory_space<hbm>> -> memref<10000x64xf32, #tpu.memory_space<hbm>>
          tpu.enqueue_indirect_dma source(%dma_start3A_176 : memref<10000x64xf32, #tpu.memory_space<hbm>>) target(%arg10 : memref<88x64xf32, #tpu.memory_space<vmem>>) offsets(%dma_start3A_173 : memref<88xi32, #tpu.memory_space<vmem>>) semaphore(%arg17 : memref<!tpu.dma_semaphore, #tpu.memory_space<semaphore_mem>>)
        } else {
        }
        "tpu.region"() ({
          %run_scoped3A = tpu.sem_alloc : memref<!tpu.dma_semaphore, #tpu.memory_space<semaphore_mem>>
          %dma_start3A_167 = arith.constant 0 : i32
          %dma_start3A_168 = tpu.memref_slice %arg9[%add3A_83, %dma_start3A_167] : memref<228x88xi32, #tpu.memory_space<vmem>> -> memref<1x88xi32, #tpu.memory_space<vmem>>
          %dma_start3A_169 = tpu.memref_squeeze %dma_start3A_168 : memref<1x88xi32, #tpu.memory_space<vmem>> -> memref<88xi32, #tpu.memory_space<vmem>>
          %dma_start3A_170 = arith.constant 0 : i32
          %dma_start3A_171 = arith.constant 0 : i32
          %dma_start3A_172 = tpu.memref_slice %arg16[%dma_start3A_170, %dma_start3A_171] : memref<10008x64xf32, #tpu.memory_space<vmem_shared>> -> memref<10008x64xf32, #tpu.memory_space<vmem_shared>>
          tpu.enqueue_indirect_dma source(%arg11 : memref<88x64xf32, #tpu.memory_space<vmem>>) target(%dma_start3A_172 : memref<10008x64xf32, #tpu.memory_space<vmem_shared>>) offsets(%dma_start3A_169 : memref<88xi32, #tpu.memory_space<vmem>>) semaphore(%run_scoped3A : memref<!tpu.dma_semaphore, #tpu.memory_space<semaphore_mem>>) {add = true}
          %dma_wait3A_173 = arith.constant 0 : i32
          %dma_wait3A_174 = tpu.memref_slice %arg9[%add3A_83, %dma_wait3A_173] : memref<228x88xi32, #tpu.memory_space<vmem>> -> memref<1x88xi32, #tpu.memory_space<vmem>>
          %dma_wait3A_175 = tpu.memref_squeeze %dma_wait3A_174 : memref<1x88xi32, #tpu.memory_space<vmem>> -> memref<88xi32, #tpu.memory_space<vmem>>
          %dma_wait3A_176 = arith.constant 0 : i32
          %dma_wait3A_177 = arith.constant 0 : i32
          %dma_wait3A_178 = tpu.memref_slice %arg16[%dma_wait3A_176, %dma_wait3A_177] : memref<10008x64xf32, #tpu.memory_space<vmem_shared>> -> memref<10008x64xf32, #tpu.memory_space<vmem_shared>>
          tpu.wait_indirect_dma semaphore(%run_scoped3A : memref<!tpu.dma_semaphore, #tpu.memory_space<semaphore_mem>>) src(%arg11 : memref<88x64xf32, #tpu.memory_space<vmem>>) dst(%dma_wait3A_178 : memref<10008x64xf32, #tpu.memory_space<vmem_shared>>)
          tpu.yield
        }) : () -> ()
        %add3A_99 = arith.constant 2 : i32
        %add3A_100 = arith.addi %mul3A_67, %add3A_99 : i32
        %dma_wait3A_101 = arith.constant 0 : i32
        %dma_wait3A_102 = tpu.memref_slice %arg8[%add3A_100, %dma_wait3A_101] : memref<228x88xi32, #tpu.memory_space<vmem>> -> memref<1x88xi32, #tpu.memory_space<vmem>>
        %dma_wait3A_103 = tpu.memref_squeeze %dma_wait3A_102 : memref<1x88xi32, #tpu.memory_space<vmem>> -> memref<88xi32, #tpu.memory_space<vmem>>
        %dma_wait3A_104 = arith.constant 0 : i32
        %dma_wait3A_105 = arith.constant 0 : i32
        %dma_wait3A_106 = tpu.memref_slice %arg3[%dma_wait3A_104, %dma_wait3A_105] : memref<10000x64xf32, #tpu.memory_space<hbm>> -> memref<10000x64xf32, #tpu.memory_space<hbm>>
        tpu.wait_indirect_dma semaphore(%arg19 : memref<!tpu.dma_semaphore, #tpu.memory_space<semaphore_mem>>) src(%dma_wait3A_106 : memref<10000x64xf32, #tpu.memory_space<hbm>>) dst(%arg12 : memref<88x64xf32, #tpu.memory_space<vmem>>)
        %add3A_107 = arith.constant 6 : i32
        %add3A_108 = arith.addi %add3A_100, %add3A_107 : i32
        %sub3A_109 = arith.constant 1 : i32
        %sub3A_110 = arith.subi %add3A_108, %sub3A_109 : i32
        %lt3A_111 = arith.constant 228 : i32
        %lt3A_112 = arith.cmpi slt, %sub3A_110, %lt3A_111 : i32
        %convert_element_type3A_113 = arith.extui %lt3A_112 : i1 to i32
        %cond3A_114 = arith.constant 0 : i32
        %cond3A_115 = arith.cmpi ne, %convert_element_type3A_113, %cond3A_114 : i32
        scf.if %cond3A_115 {
          %add3A_167 = arith.constant 6 : i32
          %add3A_168 = arith.addi %add3A_100, %add3A_167 : i32
          %sub3A_169 = arith.constant 1 : i32
          %sub3A_170 = arith.subi %add3A_168, %sub3A_169 : i32
          %dma_start3A_171 = arith.constant 0 : i32
          %dma_start3A_172 = tpu.memref_slice %arg8[%sub3A_170, %dma_start3A_171] : memref<228x88xi32, #tpu.memory_space<vmem>> -> memref<1x88xi32, #tpu.memory_space<vmem>>
          %dma_start3A_173 = tpu.memref_squeeze %dma_start3A_172 : memref<1x88xi32, #tpu.memory_space<vmem>> -> memref<88xi32, #tpu.memory_space<vmem>>
          %dma_start3A_174 = arith.constant 0 : i32
          %dma_start3A_175 = arith.constant 0 : i32
          %dma_start3A_176 = tpu.memref_slice %arg3[%dma_start3A_174, %dma_start3A_175] : memref<10000x64xf32, #tpu.memory_space<hbm>> -> memref<10000x64xf32, #tpu.memory_space<hbm>>
          tpu.enqueue_indirect_dma source(%dma_start3A_176 : memref<10000x64xf32, #tpu.memory_space<hbm>>) target(%arg11 : memref<88x64xf32, #tpu.memory_space<vmem>>) offsets(%dma_start3A_173 : memref<88xi32, #tpu.memory_space<vmem>>) semaphore(%arg18 : memref<!tpu.dma_semaphore, #tpu.memory_space<semaphore_mem>>)
        } else {
        }
        "tpu.region"() ({
          %run_scoped3A = tpu.sem_alloc : memref<!tpu.dma_semaphore, #tpu.memory_space<semaphore_mem>>
          %dma_start3A_167 = arith.constant 0 : i32
          %dma_start3A_168 = tpu.memref_slice %arg9[%add3A_100, %dma_start3A_167] : memref<228x88xi32, #tpu.memory_space<vmem>> -> memref<1x88xi32, #tpu.memory_space<vmem>>
          %dma_start3A_169 = tpu.memref_squeeze %dma_start3A_168 : memref<1x88xi32, #tpu.memory_space<vmem>> -> memref<88xi32, #tpu.memory_space<vmem>>
          %dma_start3A_170 = arith.constant 0 : i32
          %dma_start3A_171 = arith.constant 0 : i32
          %dma_start3A_172 = tpu.memref_slice %arg16[%dma_start3A_170, %dma_start3A_171] : memref<10008x64xf32, #tpu.memory_space<vmem_shared>> -> memref<10008x64xf32, #tpu.memory_space<vmem_shared>>
          tpu.enqueue_indirect_dma source(%arg12 : memref<88x64xf32, #tpu.memory_space<vmem>>) target(%dma_start3A_172 : memref<10008x64xf32, #tpu.memory_space<vmem_shared>>) offsets(%dma_start3A_169 : memref<88xi32, #tpu.memory_space<vmem>>) semaphore(%run_scoped3A : memref<!tpu.dma_semaphore, #tpu.memory_space<semaphore_mem>>) {add = true}
          %dma_wait3A_173 = arith.constant 0 : i32
          %dma_wait3A_174 = tpu.memref_slice %arg9[%add3A_100, %dma_wait3A_173] : memref<228x88xi32, #tpu.memory_space<vmem>> -> memref<1x88xi32, #tpu.memory_space<vmem>>
          %dma_wait3A_175 = tpu.memref_squeeze %dma_wait3A_174 : memref<1x88xi32, #tpu.memory_space<vmem>> -> memref<88xi32, #tpu.memory_space<vmem>>
          %dma_wait3A_176 = arith.constant 0 : i32
          %dma_wait3A_177 = arith.constant 0 : i32
          %dma_wait3A_178 = tpu.memref_slice %arg16[%dma_wait3A_176, %dma_wait3A_177] : memref<10008x64xf32, #tpu.memory_space<vmem_shared>> -> memref<10008x64xf32, #tpu.memory_space<vmem_shared>>
          tpu.wait_indirect_dma semaphore(%run_scoped3A : memref<!tpu.dma_semaphore, #tpu.memory_space<semaphore_mem>>) src(%arg12 : memref<88x64xf32, #tpu.memory_space<vmem>>) dst(%dma_wait3A_178 : memref<10008x64xf32, #tpu.memory_space<vmem_shared>>)
          tpu.yield
        }) : () -> ()
        %add3A_116 = arith.constant 3 : i32
        %add3A_117 = arith.addi %mul3A_67, %add3A_116 : i32
        %dma_wait3A_118 = arith.constant 0 : i32
        %dma_wait3A_119 = tpu.memref_slice %arg8[%add3A_117, %dma_wait3A_118] : memref<228x88xi32, #tpu.memory_space<vmem>> -> memref<1x88xi32, #tpu.memory_space<vmem>>
        %dma_wait3A_120 = tpu.memref_squeeze %dma_wait3A_119 : memref<1x88xi32, #tpu.memory_space<vmem>> -> memref<88xi32, #tpu.memory_space<vmem>>
        %dma_wait3A_121 = arith.constant 0 : i32
        %dma_wait3A_122 = arith.constant 0 : i32
        %dma_wait3A_123 = tpu.memref_slice %arg3[%dma_wait3A_121, %dma_wait3A_122] : memref<10000x64xf32, #tpu.memory_space<hbm>> -> memref<10000x64xf32, #tpu.memory_space<hbm>>
        tpu.wait_indirect_dma semaphore(%arg20 : memref<!tpu.dma_semaphore, #tpu.memory_space<semaphore_mem>>) src(%dma_wait3A_123 : memref<10000x64xf32, #tpu.memory_space<hbm>>) dst(%arg13 : memref<88x64xf32, #tpu.memory_space<vmem>>)
        %add3A_124 = arith.constant 6 : i32
        %add3A_125 = arith.addi %add3A_117, %add3A_124 : i32
        %sub3A_126 = arith.constant 1 : i32
        %sub3A_127 = arith.subi %add3A_125, %sub3A_126 : i32
        %lt3A_128 = arith.constant 228 : i32
        %lt3A_129 = arith.cmpi slt, %sub3A_127, %lt3A_128 : i32
        %convert_element_type3A_130 = arith.extui %lt3A_129 : i1 to i32
        %cond3A_131 = arith.constant 0 : i32
        %cond3A_132 = arith.cmpi ne, %convert_element_type3A_130, %cond3A_131 : i32
        scf.if %cond3A_132 {
          %add3A_167 = arith.constant 6 : i32
          %add3A_168 = arith.addi %add3A_117, %add3A_167 : i32
          %sub3A_169 = arith.constant 1 : i32
          %sub3A_170 = arith.subi %add3A_168, %sub3A_169 : i32
          %dma_start3A_171 = arith.constant 0 : i32
          %dma_start3A_172 = tpu.memref_slice %arg8[%sub3A_170, %dma_start3A_171] : memref<228x88xi32, #tpu.memory_space<vmem>> -> memref<1x88xi32, #tpu.memory_space<vmem>>
          %dma_start3A_173 = tpu.memref_squeeze %dma_start3A_172 : memref<1x88xi32, #tpu.memory_space<vmem>> -> memref<88xi32, #tpu.memory_space<vmem>>
          %dma_start3A_174 = arith.constant 0 : i32
          %dma_start3A_175 = arith.constant 0 : i32
          %dma_start3A_176 = tpu.memref_slice %arg3[%dma_start3A_174, %dma_start3A_175] : memref<10000x64xf32, #tpu.memory_space<hbm>> -> memref<10000x64xf32, #tpu.memory_space<hbm>>
          tpu.enqueue_indirect_dma source(%dma_start3A_176 : memref<10000x64xf32, #tpu.memory_space<hbm>>) target(%arg12 : memref<88x64xf32, #tpu.memory_space<vmem>>) offsets(%dma_start3A_173 : memref<88xi32, #tpu.memory_space<vmem>>) semaphore(%arg19 : memref<!tpu.dma_semaphore, #tpu.memory_space<semaphore_mem>>)
        } else {
        }
        "tpu.region"() ({
          %run_scoped3A = tpu.sem_alloc : memref<!tpu.dma_semaphore, #tpu.memory_space<semaphore_mem>>
          %dma_start3A_167 = arith.constant 0 : i32
          %dma_start3A_168 = tpu.memref_slice %arg9[%add3A_117, %dma_start3A_167] : memref<228x88xi32, #tpu.memory_space<vmem>> -> memref<1x88xi32, #tpu.memory_space<vmem>>
          %dma_start3A_169 = tpu.memref_squeeze %dma_start3A_168 : memref<1x88xi32, #tpu.memory_space<vmem>> -> memref<88xi32, #tpu.memory_space<vmem>>
          %dma_start3A_170 = arith.constant 0 : i32
          %dma_start3A_171 = arith.constant 0 : i32
          %dma_start3A_172 = tpu.memref_slice %arg16[%dma_start3A_170, %dma_start3A_171] : memref<10008x64xf32, #tpu.memory_space<vmem_shared>> -> memref<10008x64xf32, #tpu.memory_space<vmem_shared>>
          tpu.enqueue_indirect_dma source(%arg13 : memref<88x64xf32, #tpu.memory_space<vmem>>) target(%dma_start3A_172 : memref<10008x64xf32, #tpu.memory_space<vmem_shared>>) offsets(%dma_start3A_169 : memref<88xi32, #tpu.memory_space<vmem>>) semaphore(%run_scoped3A : memref<!tpu.dma_semaphore, #tpu.memory_space<semaphore_mem>>) {add = true}
          %dma_wait3A_173 = arith.constant 0 : i32
          %dma_wait3A_174 = tpu.memref_slice %arg9[%add3A_117, %dma_wait3A_173] : memref<228x88xi32, #tpu.memory_space<vmem>> -> memref<1x88xi32, #tpu.memory_space<vmem>>
          %dma_wait3A_175 = tpu.memref_squeeze %dma_wait3A_174 : memref<1x88xi32, #tpu.memory_space<vmem>> -> memref<88xi32, #tpu.memory_space<vmem>>
          %dma_wait3A_176 = arith.constant 0 : i32
          %dma_wait3A_177 = arith.constant 0 : i32
          %dma_wait3A_178 = tpu.memref_slice %arg16[%dma_wait3A_176, %dma_wait3A_177] : memref<10008x64xf32, #tpu.memory_space<vmem_shared>> -> memref<10008x64xf32, #tpu.memory_space<vmem_shared>>
          tpu.wait_indirect_dma semaphore(%run_scoped3A : memref<!tpu.dma_semaphore, #tpu.memory_space<semaphore_mem>>) src(%arg13 : memref<88x64xf32, #tpu.memory_space<vmem>>) dst(%dma_wait3A_178 : memref<10008x64xf32, #tpu.memory_space<vmem_shared>>)
          tpu.yield
        }) : () -> ()
        %add3A_133 = arith.constant 4 : i32
        %add3A_134 = arith.addi %mul3A_67, %add3A_133 : i32
        %dma_wait3A_135 = arith.constant 0 : i32
        %dma_wait3A_136 = tpu.memref_slice %arg8[%add3A_134, %dma_wait3A_135] : memref<228x88xi32, #tpu.memory_space<vmem>> -> memref<1x88xi32, #tpu.memory_space<vmem>>
        %dma_wait3A_137 = tpu.memref_squeeze %dma_wait3A_136 : memref<1x88xi32, #tpu.memory_space<vmem>> -> memref<88xi32, #tpu.memory_space<vmem>>
        %dma_wait3A_138 = arith.constant 0 : i32
        %dma_wait3A_139 = arith.constant 0 : i32
        %dma_wait3A_140 = tpu.memref_slice %arg3[%dma_wait3A_138, %dma_wait3A_139] : memref<10000x64xf32, #tpu.memory_space<hbm>> -> memref<10000x64xf32, #tpu.memory_space<hbm>>
        tpu.wait_indirect_dma semaphore(%arg21 : memref<!tpu.dma_semaphore, #tpu.memory_space<semaphore_mem>>) src(%dma_wait3A_140 : memref<10000x64xf32, #tpu.memory_space<hbm>>) dst(%arg14 : memref<88x64xf32, #tpu.memory_space<vmem>>)
        %add3A_141 = arith.constant 6 : i32
        %add3A_142 = arith.addi %add3A_134, %add3A_141 : i32
        %sub3A_143 = arith.constant 1 : i32
        %sub3A_144 = arith.subi %add3A_142, %sub3A_143 : i32
        %lt3A_145 = arith.constant 228 : i32
        %lt3A_146 = arith.cmpi slt, %sub3A_144, %lt3A_145 : i32
        %convert_element_type3A_147 = arith.extui %lt3A_146 : i1 to i32
        %cond3A_148 = arith.constant 0 : i32
        %cond3A_149 = arith.cmpi ne, %convert_element_type3A_147, %cond3A_148 : i32
        scf.if %cond3A_149 {
          %add3A_167 = arith.constant 6 : i32
          %add3A_168 = arith.addi %add3A_134, %add3A_167 : i32
          %sub3A_169 = arith.constant 1 : i32
          %sub3A_170 = arith.subi %add3A_168, %sub3A_169 : i32
          %dma_start3A_171 = arith.constant 0 : i32
          %dma_start3A_172 = tpu.memref_slice %arg8[%sub3A_170, %dma_start3A_171] : memref<228x88xi32, #tpu.memory_space<vmem>> -> memref<1x88xi32, #tpu.memory_space<vmem>>
          %dma_start3A_173 = tpu.memref_squeeze %dma_start3A_172 : memref<1x88xi32, #tpu.memory_space<vmem>> -> memref<88xi32, #tpu.memory_space<vmem>>
          %dma_start3A_174 = arith.constant 0 : i32
          %dma_start3A_175 = arith.constant 0 : i32
          %dma_start3A_176 = tpu.memref_slice %arg3[%dma_start3A_174, %dma_start3A_175] : memref<10000x64xf32, #tpu.memory_space<hbm>> -> memref<10000x64xf32, #tpu.memory_space<hbm>>
          tpu.enqueue_indirect_dma source(%dma_start3A_176 : memref<10000x64xf32, #tpu.memory_space<hbm>>) target(%arg13 : memref<88x64xf32, #tpu.memory_space<vmem>>) offsets(%dma_start3A_173 : memref<88xi32, #tpu.memory_space<vmem>>) semaphore(%arg20 : memref<!tpu.dma_semaphore, #tpu.memory_space<semaphore_mem>>)
        } else {
        }
        "tpu.region"() ({
          %run_scoped3A = tpu.sem_alloc : memref<!tpu.dma_semaphore, #tpu.memory_space<semaphore_mem>>
          %dma_start3A_167 = arith.constant 0 : i32
          %dma_start3A_168 = tpu.memref_slice %arg9[%add3A_134, %dma_start3A_167] : memref<228x88xi32, #tpu.memory_space<vmem>> -> memref<1x88xi32, #tpu.memory_space<vmem>>
          %dma_start3A_169 = tpu.memref_squeeze %dma_start3A_168 : memref<1x88xi32, #tpu.memory_space<vmem>> -> memref<88xi32, #tpu.memory_space<vmem>>
          %dma_start3A_170 = arith.constant 0 : i32
          %dma_start3A_171 = arith.constant 0 : i32
          %dma_start3A_172 = tpu.memref_slice %arg16[%dma_start3A_170, %dma_start3A_171] : memref<10008x64xf32, #tpu.memory_space<vmem_shared>> -> memref<10008x64xf32, #tpu.memory_space<vmem_shared>>
          tpu.enqueue_indirect_dma source(%arg14 : memref<88x64xf32, #tpu.memory_space<vmem>>) target(%dma_start3A_172 : memref<10008x64xf32, #tpu.memory_space<vmem_shared>>) offsets(%dma_start3A_169 : memref<88xi32, #tpu.memory_space<vmem>>) semaphore(%run_scoped3A : memref<!tpu.dma_semaphore, #tpu.memory_space<semaphore_mem>>) {add = true}
          %dma_wait3A_173 = arith.constant 0 : i32
          %dma_wait3A_174 = tpu.memref_slice %arg9[%add3A_134, %dma_wait3A_173] : memref<228x88xi32, #tpu.memory_space<vmem>> -> memref<1x88xi32, #tpu.memory_space<vmem>>
          %dma_wait3A_175 = tpu.memref_squeeze %dma_wait3A_174 : memref<1x88xi32, #tpu.memory_space<vmem>> -> memref<88xi32, #tpu.memory_space<vmem>>
          %dma_wait3A_176 = arith.constant 0 : i32
          %dma_wait3A_177 = arith.constant 0 : i32
          %dma_wait3A_178 = tpu.memref_slice %arg16[%dma_wait3A_176, %dma_wait3A_177] : memref<10008x64xf32, #tpu.memory_space<vmem_shared>> -> memref<10008x64xf32, #tpu.memory_space<vmem_shared>>
          tpu.wait_indirect_dma semaphore(%run_scoped3A : memref<!tpu.dma_semaphore, #tpu.memory_space<semaphore_mem>>) src(%arg14 : memref<88x64xf32, #tpu.memory_space<vmem>>) dst(%dma_wait3A_178 : memref<10008x64xf32, #tpu.memory_space<vmem_shared>>)
          tpu.yield
        }) : () -> ()
        %add3A_150 = arith.constant 5 : i32
        %add3A_151 = arith.addi %mul3A_67, %add3A_150 : i32
        %dma_wait3A_152 = arith.constant 0 : i32
        %dma_wait3A_153 = tpu.memref_slice %arg8[%add3A_151, %dma_wait3A_152] : memref<228x88xi32, #tpu.memory_space<vmem>> -> memref<1x88xi32, #tpu.memory_space<vmem>>
        %dma_wait3A_154 = tpu.memref_squeeze %dma_wait3A_153 : memref<1x88xi32, #tpu.memory_space<vmem>> -> memref<88xi32, #tpu.memory_space<vmem>>
        %dma_wait3A_155 = arith.constant 0 : i32
        %dma_wait3A_156 = arith.constant 0 : i32
        %dma_wait3A_157 = tpu.memref_slice %arg3[%dma_wait3A_155, %dma_wait3A_156] : memref<10000x64xf32, #tpu.memory_space<hbm>> -> memref<10000x64xf32, #tpu.memory_space<hbm>>
        tpu.wait_indirect_dma semaphore(%arg22 : memref<!tpu.dma_semaphore, #tpu.memory_space<semaphore_mem>>) src(%dma_wait3A_157 : memref<10000x64xf32, #tpu.memory_space<hbm>>) dst(%arg15 : memref<88x64xf32, #tpu.memory_space<vmem>>)
        %add3A_158 = arith.constant 6 : i32
        %add3A_159 = arith.addi %add3A_151, %add3A_158 : i32
        %sub3A_160 = arith.constant 1 : i32
        %sub3A_161 = arith.subi %add3A_159, %sub3A_160 : i32
        %lt3A_162 = arith.constant 228 : i32
        %lt3A_163 = arith.cmpi slt, %sub3A_161, %lt3A_162 : i32
        %convert_element_type3A_164 = arith.extui %lt3A_163 : i1 to i32
        %cond3A_165 = arith.constant 0 : i32
        %cond3A_166 = arith.cmpi ne, %convert_element_type3A_164, %cond3A_165 : i32
        scf.if %cond3A_166 {
          %add3A_167 = arith.constant 6 : i32
          %add3A_168 = arith.addi %add3A_151, %add3A_167 : i32
          %sub3A_169 = arith.constant 1 : i32
          %sub3A_170 = arith.subi %add3A_168, %sub3A_169 : i32
          %dma_start3A_171 = arith.constant 0 : i32
          %dma_start3A_172 = tpu.memref_slice %arg8[%sub3A_170, %dma_start3A_171] : memref<228x88xi32, #tpu.memory_space<vmem>> -> memref<1x88xi32, #tpu.memory_space<vmem>>
          %dma_start3A_173 = tpu.memref_squeeze %dma_start3A_172 : memref<1x88xi32, #tpu.memory_space<vmem>> -> memref<88xi32, #tpu.memory_space<vmem>>
          %dma_start3A_174 = arith.constant 0 : i32
          %dma_start3A_175 = arith.constant 0 : i32
          %dma_start3A_176 = tpu.memref_slice %arg3[%dma_start3A_174, %dma_start3A_175] : memref<10000x64xf32, #tpu.memory_space<hbm>> -> memref<10000x64xf32, #tpu.memory_space<hbm>>
          tpu.enqueue_indirect_dma source(%dma_start3A_176 : memref<10000x64xf32, #tpu.memory_space<hbm>>) target(%arg14 : memref<88x64xf32, #tpu.memory_space<vmem>>) offsets(%dma_start3A_173 : memref<88xi32, #tpu.memory_space<vmem>>) semaphore(%arg21 : memref<!tpu.dma_semaphore, #tpu.memory_space<semaphore_mem>>)
        } else {
        }
        "tpu.region"() ({
          %run_scoped3A = tpu.sem_alloc : memref<!tpu.dma_semaphore, #tpu.memory_space<semaphore_mem>>
          %dma_start3A_167 = arith.constant 0 : i32
          %dma_start3A_168 = tpu.memref_slice %arg9[%add3A_151, %dma_start3A_167] : memref<228x88xi32, #tpu.memory_space<vmem>> -> memref<1x88xi32, #tpu.memory_space<vmem>>
          %dma_start3A_169 = tpu.memref_squeeze %dma_start3A_168 : memref<1x88xi32, #tpu.memory_space<vmem>> -> memref<88xi32, #tpu.memory_space<vmem>>
          %dma_start3A_170 = arith.constant 0 : i32
          %dma_start3A_171 = arith.constant 0 : i32
          %dma_start3A_172 = tpu.memref_slice %arg16[%dma_start3A_170, %dma_start3A_171] : memref<10008x64xf32, #tpu.memory_space<vmem_shared>> -> memref<10008x64xf32, #tpu.memory_space<vmem_shared>>
          tpu.enqueue_indirect_dma source(%arg15 : memref<88x64xf32, #tpu.memory_space<vmem>>) target(%dma_start3A_172 : memref<10008x64xf32, #tpu.memory_space<vmem_shared>>) offsets(%dma_start3A_169 : memref<88xi32, #tpu.memory_space<vmem>>) semaphore(%run_scoped3A : memref<!tpu.dma_semaphore, #tpu.memory_space<semaphore_mem>>) {add = true}
          %dma_wait3A_173 = arith.constant 0 : i32
          %dma_wait3A_174 = tpu.memref_slice %arg9[%add3A_151, %dma_wait3A_173] : memref<228x88xi32, #tpu.memory_space<vmem>> -> memref<1x88xi32, #tpu.memory_space<vmem>>
          %dma_wait3A_175 = tpu.memref_squeeze %dma_wait3A_174 : memref<1x88xi32, #tpu.memory_space<vmem>> -> memref<88xi32, #tpu.memory_space<vmem>>
          %dma_wait3A_176 = arith.constant 0 : i32
          %dma_wait3A_177 = arith.constant 0 : i32
          %dma_wait3A_178 = tpu.memref_slice %arg16[%dma_wait3A_176, %dma_wait3A_177] : memref<10008x64xf32, #tpu.memory_space<vmem_shared>> -> memref<10008x64xf32, #tpu.memory_space<vmem_shared>>
          tpu.wait_indirect_dma semaphore(%run_scoped3A : memref<!tpu.dma_semaphore, #tpu.memory_space<semaphore_mem>>) src(%arg15 : memref<88x64xf32, #tpu.memory_space<vmem>>) dst(%dma_wait3A_178 : memref<10008x64xf32, #tpu.memory_space<vmem_shared>>)
          tpu.yield
        }) : () -> ()
      }
      %scan3A_65 = arith.constant 38 : i32
    } else {
    }
    %barrier3A_16 = arith.constant 0 : index
    tpu.barrier barrier_id(%barrier3A_16)
    %eq3A_17 = arith.constant 0 : i32
    %eq3A_18 = arith.cmpi eq, %arg0, %eq3A_17 : i32
    %convert_element_type3A_19 = arith.extui %eq3A_18 : i1 to i32
    %cond3A_20 = arith.constant 0 : i32
    %cond3A_21 = arith.cmpi ne, %convert_element_type3A_19, %cond3A_20 : i32
    scf.if %cond3A_21 {
      %lt3A_27 = arith.constant 15 : i32
      %lt3A_28 = arith.cmpi slt, %arg1, %lt3A_27 : i32
      %convert_element_type3A_29 = arith.extui %lt3A_28 : i1 to i32
      %cond3A_30 = arith.constant 0 : i32
      %cond3A_31 = arith.cmpi ne, %convert_element_type3A_29, %cond3A_30 : i32
      scf.if %cond3A_31 {
        %mul3A = arith.constant 624 : i32
        %mul3A_37 = arith.muli %arg1, %mul3A : i32
        %multiple_of3A = tpu.assume_multiple %mul3A_37, 8 : i32
        "tpu.region"() ({
          %run_scoped3A = tpu.sem_alloc : memref<!tpu.dma_semaphore, #tpu.memory_space<semaphore_mem>>
          %dma_start3A = arith.constant 0 : i32
          %dma_start3A_38 = tpu.memref_slice %arg7[%multiple_of3A, %dma_start3A] : memref<10000x128xf32, #tpu.memory_space<hbm>> -> memref<624x64xf32, #tpu.memory_space<hbm>>
          %dma_start3A_39 = arith.constant 0 : i32
          %dma_start3A_40 = tpu.memref_slice %arg16[%multiple_of3A, %dma_start3A_39] : memref<10008x64xf32, #tpu.memory_space<vmem_shared>> -> memref<624x64xf32, #tpu.memory_space<vmem_shared>>
          tpu.enqueue_dma source(%dma_start3A_40 : memref<624x64xf32, #tpu.memory_space<vmem_shared>>) target(%dma_start3A_38 : memref<624x64xf32, #tpu.memory_space<hbm>>) target_semaphore(%run_scoped3A : memref<!tpu.dma_semaphore, #tpu.memory_space<semaphore_mem>>)
          %dma_wait3A = arith.constant 0 : i32
          %dma_wait3A_41 = tpu.memref_slice %arg7[%multiple_of3A, %dma_wait3A] : memref<10000x128xf32, #tpu.memory_space<hbm>> -> memref<624x64xf32, #tpu.memory_space<hbm>>
          %dma_wait3A_42 = arith.constant 0 : i32
          %dma_wait3A_43 = tpu.memref_slice %arg16[%multiple_of3A, %dma_wait3A_42] : memref<10008x64xf32, #tpu.memory_space<vmem_shared>> -> memref<624x64xf32, #tpu.memory_space<vmem_shared>>
          tpu.wait_dma2 semaphore(%run_scoped3A : memref<!tpu.dma_semaphore, #tpu.memory_space<semaphore_mem>>) src(%dma_wait3A_43 : memref<624x64xf32, #tpu.memory_space<vmem_shared>>) dst(%dma_wait3A_41 : memref<624x64xf32, #tpu.memory_space<hbm>>)
          tpu.yield
        }) : () -> ()
      } else {
      }
      %eq3A_32 = arith.constant 15 : i32
      %eq3A_33 = arith.cmpi eq, %arg1, %eq3A_32 : i32
      %convert_element_type3A_34 = arith.extui %eq3A_33 : i1 to i32
      %cond3A_35 = arith.constant 0 : i32
      %cond3A_36 = arith.cmpi ne, %convert_element_type3A_34, %cond3A_35 : i32
      scf.if %cond3A_36 {
        "tpu.region"() ({
          %run_scoped3A = tpu.sem_alloc : memref<!tpu.dma_semaphore, #tpu.memory_space<semaphore_mem>>
          %dma_start3A = arith.constant 9360 : i32
          %dma_start3A_37 = arith.constant 0 : i32
          %dma_start3A_38 = tpu.memref_slice %arg7[%dma_start3A, %dma_start3A_37] : memref<10000x128xf32, #tpu.memory_space<hbm>> -> memref<640x64xf32, #tpu.memory_space<hbm>>
          %dma_start3A_39 = arith.constant 9360 : i32
          %dma_start3A_40 = arith.constant 0 : i32
          %dma_start3A_41 = tpu.memref_slice %arg16[%dma_start3A_39, %dma_start3A_40] : memref<10008x64xf32, #tpu.memory_space<vmem_shared>> -> memref<640x64xf32, #tpu.memory_space<vmem_shared>>
          tpu.enqueue_dma source(%dma_start3A_41 : memref<640x64xf32, #tpu.memory_space<vmem_shared>>) target(%dma_start3A_38 : memref<640x64xf32, #tpu.memory_space<hbm>>) target_semaphore(%run_scoped3A : memref<!tpu.dma_semaphore, #tpu.memory_space<semaphore_mem>>)
          %dma_wait3A = arith.constant 9360 : i32
          %dma_wait3A_42 = arith.constant 0 : i32
          %dma_wait3A_43 = tpu.memref_slice %arg7[%dma_wait3A, %dma_wait3A_42] : memref<10000x128xf32, #tpu.memory_space<hbm>> -> memref<640x64xf32, #tpu.memory_space<hbm>>
          %dma_wait3A_44 = arith.constant 9360 : i32
          %dma_wait3A_45 = arith.constant 0 : i32
          %dma_wait3A_46 = tpu.memref_slice %arg16[%dma_wait3A_44, %dma_wait3A_45] : memref<10008x64xf32, #tpu.memory_space<vmem_shared>> -> memref<640x64xf32, #tpu.memory_space<vmem_shared>>
          tpu.wait_dma2 semaphore(%run_scoped3A : memref<!tpu.dma_semaphore, #tpu.memory_space<semaphore_mem>>) src(%dma_wait3A_46 : memref<640x64xf32, #tpu.memory_space<vmem_shared>>) dst(%dma_wait3A_43 : memref<640x64xf32, #tpu.memory_space<hbm>>)
          tpu.yield
        }) : () -> ()
      } else {
      }
    } else {
    }
    %eq3A_22 = arith.constant 1 : i32
    %eq3A_23 = arith.cmpi eq, %arg0, %eq3A_22 : i32
    %convert_element_type3A_24 = arith.extui %eq3A_23 : i1 to i32
    %cond3A_25 = arith.constant 0 : i32
    %cond3A_26 = arith.cmpi ne, %convert_element_type3A_24, %cond3A_25 : i32
    scf.if %cond3A_26 {
      %lt3A_27 = arith.constant 15 : i32
      %lt3A_28 = arith.cmpi slt, %arg1, %lt3A_27 : i32
      %convert_element_type3A_29 = arith.extui %lt3A_28 : i1 to i32
      %cond3A_30 = arith.constant 0 : i32
      %cond3A_31 = arith.cmpi ne, %convert_element_type3A_29, %cond3A_30 : i32
      scf.if %cond3A_31 {
        %mul3A = arith.constant 624 : i32
        %mul3A_37 = arith.muli %arg1, %mul3A : i32
        %multiple_of3A = tpu.assume_multiple %mul3A_37, 8 : i32
        "tpu.region"() ({
          %run_scoped3A = tpu.sem_alloc : memref<!tpu.dma_semaphore, #tpu.memory_space<semaphore_mem>>
          %dma_start3A = arith.constant 64 : i32
          %dma_start3A_38 = tpu.memref_slice %arg7[%multiple_of3A, %dma_start3A] : memref<10000x128xf32, #tpu.memory_space<hbm>> -> memref<624x64xf32, #tpu.memory_space<hbm>>
          %dma_start3A_39 = arith.constant 0 : i32
          %dma_start3A_40 = tpu.memref_slice %arg16[%multiple_of3A, %dma_start3A_39] : memref<10008x64xf32, #tpu.memory_space<vmem_shared>> -> memref<624x64xf32, #tpu.memory_space<vmem_shared>>
          tpu.enqueue_dma source(%dma_start3A_40 : memref<624x64xf32, #tpu.memory_space<vmem_shared>>) target(%dma_start3A_38 : memref<624x64xf32, #tpu.memory_space<hbm>>) target_semaphore(%run_scoped3A : memref<!tpu.dma_semaphore, #tpu.memory_space<semaphore_mem>>)
          %dma_wait3A = arith.constant 64 : i32
          %dma_wait3A_41 = tpu.memref_slice %arg7[%multiple_of3A, %dma_wait3A] : memref<10000x128xf32, #tpu.memory_space<hbm>> -> memref<624x64xf32, #tpu.memory_space<hbm>>
          %dma_wait3A_42 = arith.constant 0 : i32
          %dma_wait3A_43 = tpu.memref_slice %arg16[%multiple_of3A, %dma_wait3A_42] : memref<10008x64xf32, #tpu.memory_space<vmem_shared>> -> memref<624x64xf32, #tpu.memory_space<vmem_shared>>
          tpu.wait_dma2 semaphore(%run_scoped3A : memref<!tpu.dma_semaphore, #tpu.memory_space<semaphore_mem>>) src(%dma_wait3A_43 : memref<624x64xf32, #tpu.memory_space<vmem_shared>>) dst(%dma_wait3A_41 : memref<624x64xf32, #tpu.memory_space<hbm>>)
          tpu.yield
        }) : () -> ()
      } else {
      }
      %eq3A_32 = arith.constant 15 : i32
      %eq3A_33 = arith.cmpi eq, %arg1, %eq3A_32 : i32
      %convert_element_type3A_34 = arith.extui %eq3A_33 : i1 to i32
      %cond3A_35 = arith.constant 0 : i32
      %cond3A_36 = arith.cmpi ne, %convert_element_type3A_34, %cond3A_35 : i32
      scf.if %cond3A_36 {
        "tpu.region"() ({
          %run_scoped3A = tpu.sem_alloc : memref<!tpu.dma_semaphore, #tpu.memory_space<semaphore_mem>>
          %dma_start3A = arith.constant 9360 : i32
          %dma_start3A_37 = arith.constant 64 : i32
          %dma_start3A_38 = tpu.memref_slice %arg7[%dma_start3A, %dma_start3A_37] : memref<10000x128xf32, #tpu.memory_space<hbm>> -> memref<640x64xf32, #tpu.memory_space<hbm>>
          %dma_start3A_39 = arith.constant 9360 : i32
          %dma_start3A_40 = arith.constant 0 : i32
          %dma_start3A_41 = tpu.memref_slice %arg16[%dma_start3A_39, %dma_start3A_40] : memref<10008x64xf32, #tpu.memory_space<vmem_shared>> -> memref<640x64xf32, #tpu.memory_space<vmem_shared>>
          tpu.enqueue_dma source(%dma_start3A_41 : memref<640x64xf32, #tpu.memory_space<vmem_shared>>) target(%dma_start3A_38 : memref<640x64xf32, #tpu.memory_space<hbm>>) target_semaphore(%run_scoped3A : memref<!tpu.dma_semaphore, #tpu.memory_space<semaphore_mem>>)
          %dma_wait3A = arith.constant 9360 : i32
          %dma_wait3A_42 = arith.constant 64 : i32
          %dma_wait3A_43 = tpu.memref_slice %arg7[%dma_wait3A, %dma_wait3A_42] : memref<10000x128xf32, #tpu.memory_space<hbm>> -> memref<640x64xf32, #tpu.memory_space<hbm>>
          %dma_wait3A_44 = arith.constant 9360 : i32
          %dma_wait3A_45 = arith.constant 0 : i32
          %dma_wait3A_46 = tpu.memref_slice %arg16[%dma_wait3A_44, %dma_wait3A_45] : memref<10008x64xf32, #tpu.memory_space<vmem_shared>> -> memref<640x64xf32, #tpu.memory_space<vmem_shared>>
          tpu.wait_dma2 semaphore(%run_scoped3A : memref<!tpu.dma_semaphore, #tpu.memory_space<semaphore_mem>>) src(%dma_wait3A_46 : memref<640x64xf32, #tpu.memory_space<vmem_shared>>) dst(%dma_wait3A_43 : memref<640x64xf32, #tpu.memory_space<hbm>>)
          tpu.yield
        }) : () -> ()
      } else {
      }
    } else {
    }
    return
  }
}

module attributes {stable_mosaic.version = 14 : i64} {
  func.func @_tc_body(%arg0: memref<10000x128xf32, #tpu.memory_space<vmem>>, %arg1: memref<32x128xf32, #tpu.memory_space<vmem>>, %arg2: memref<128x128xf32, #tpu.memory_space<vmem>>, %arg3: memref<128x128xf32, #tpu.memory_space<vmem>>, %arg4: memref<10000x64xf32, #tpu.memory_space<vmem>>, %arg5: memref<10000x64xf32, #tpu.memory_space<vmem>>) attributes {dimension_semantics = [], scalar_prefetch = 0 : i64, scratch_operands = 0 : i64, tpu.core_type = #tpu.core_type<tc>} {
    %get3A = arith.constant 0 : index
    %get3A_0 = arith.constant 0 : index
    %get3A_1 = vector.load %arg1[%get3A, %get3A_0] : memref<32x128xf32, #tpu.memory_space<vmem>>, vector<32x128xf32>
    %slice3A = vector.extract_strided_slice %get3A_1 {offsets = [0, 0], sizes = [32, 32], strides = [1, 1]} : vector<32x128xf32> to vector<32x32xf32>
    %slice3A_2 = vector.extract_strided_slice %get3A_1 {offsets = [0, 32], sizes = [32, 32], strides = [1, 1]} : vector<32x128xf32> to vector<32x32xf32>
    %slice3A_3 = vector.extract_strided_slice %get3A_1 {offsets = [0, 64], sizes = [32, 32], strides = [1, 1]} : vector<32x128xf32> to vector<32x32xf32>
    %slice3A_4 = vector.extract_strided_slice %get3A_1 {offsets = [0, 96], sizes = [32, 32], strides = [1, 1]} : vector<32x128xf32> to vector<32x32xf32>
    %neg3A = arith.constant 0.000000e+00 : f32
    %neg3A_5 = vector.broadcast %neg3A : f32 to vector<32x32xf32>
    %neg3A_6 = arith.subf %neg3A_5, %slice3A_2 : vector<32x32xf32>
    %neg3A_7 = arith.constant 0.000000e+00 : f32
    %neg3A_8 = vector.broadcast %neg3A_7 : f32 to vector<32x32xf32>
    %neg3A_9 = arith.subf %neg3A_8, %slice3A_3 : vector<32x32xf32>
    %neg3A_10 = arith.constant 0.000000e+00 : f32
    %neg3A_11 = vector.broadcast %neg3A_10 : f32 to vector<32x32xf32>
    %neg3A_12 = arith.subf %neg3A_11, %slice3A_4 : vector<32x32xf32>
    %concatenate3A = tpu.concatenate %slice3A, %neg3A_6, %neg3A_9, %neg3A_12 in 1 : vector<32x32xf32>, vector<32x32xf32>, vector<32x32xf32>, vector<32x32xf32> -> vector<32x128xf32>
    %neg3A_13 = arith.constant 0.000000e+00 : f32
    %neg3A_14 = vector.broadcast %neg3A_13 : f32 to vector<32x32xf32>
    %neg3A_15 = arith.subf %neg3A_14, %slice3A_4 : vector<32x32xf32>
    %concatenate3A_16 = tpu.concatenate %slice3A_2, %slice3A, %neg3A_15, %slice3A_3 in 1 : vector<32x32xf32>, vector<32x32xf32>, vector<32x32xf32>, vector<32x32xf32> -> vector<32x128xf32>
    %neg3A_17 = arith.constant 0.000000e+00 : f32
    %neg3A_18 = vector.broadcast %neg3A_17 : f32 to vector<32x32xf32>
    %neg3A_19 = arith.subf %neg3A_18, %slice3A_2 : vector<32x32xf32>
    %concatenate3A_20 = tpu.concatenate %slice3A_3, %slice3A_4, %slice3A, %neg3A_19 in 1 : vector<32x32xf32>, vector<32x32xf32>, vector<32x32xf32>, vector<32x32xf32> -> vector<32x128xf32>
    %neg3A_21 = arith.constant 0.000000e+00 : f32
    %neg3A_22 = vector.broadcast %neg3A_21 : f32 to vector<32x32xf32>
    %neg3A_23 = arith.subf %neg3A_22, %slice3A_3 : vector<32x32xf32>
    %concatenate3A_24 = tpu.concatenate %slice3A_4, %neg3A_23, %slice3A_2, %slice3A in 1 : vector<32x32xf32>, vector<32x32xf32>, vector<32x32xf32>, vector<32x32xf32> -> vector<32x128xf32>
    %concatenate3A_25 = tpu.concatenate %concatenate3A, %concatenate3A_16, %concatenate3A_20, %concatenate3A_24 in 0 : vector<32x128xf32>, vector<32x128xf32>, vector<32x128xf32>, vector<32x128xf32> -> vector<128x128xf32>
    %get3A_26 = arith.constant 0 : index
    %get3A_27 = arith.constant 0 : index
    %get3A_28 = vector.load %arg2[%get3A_26, %get3A_27] : memref<128x128xf32, #tpu.memory_space<vmem>>, vector<128x128xf32>
    %get3A_29 = arith.constant 0 : index
    %get3A_30 = arith.constant 0 : index
    %get3A_31 = vector.load %arg3[%get3A_29, %get3A_30] : memref<128x128xf32, #tpu.memory_space<vmem>>, vector<128x128xf32>
    %dot_general3A = arith.constant dense<0.000000e+00> : vector<128x128xf32>
    %dot_general3A_32 = tpu.matmul %concatenate3A_25, %get3A_31, %dot_general3A {dimension_numbers = #tpu.dot_dimension_numbers<[1], [0], [0], [1], [0, 0, 1, 1], [], []>, transpose_lhs_hint = false} : vector<128x128xf32>, vector<128x128xf32>, vector<128x128xf32> -> vector<128x128xf32>
    %dot_general3A_33 = arith.constant dense<0.000000e+00> : vector<128x128xf32>
    %dot_general3A_34 = tpu.matmul %get3A_28, %dot_general3A_32, %dot_general3A_33 {dimension_numbers = #tpu.dot_dimension_numbers<[1], [0], [0], [1], [0, 0, 1, 1], [], []>, transpose_lhs_hint = false} : vector<128x128xf32>, vector<128x128xf32>, vector<128x128xf32> -> vector<128x128xf32>
    %get3A_35 = arith.constant 0 : index
    %get3A_36 = arith.constant 0 : index
    %get3A_37 = vector.load %arg0[%get3A_35, %get3A_36] : memref<10000x128xf32, #tpu.memory_space<vmem>>, vector<10000x128xf32>
    %dot_general3A_38 = arith.constant dense<0.000000e+00> : vector<10000x128xf32>
    %dot_general3A_39 = tpu.matmul %get3A_37, %dot_general3A_34, %dot_general3A_38 {dimension_numbers = #tpu.dot_dimension_numbers<[1], [0], [0], [1], [0, 0, 1, 1], [], []>, transpose_lhs_hint = false} : vector<10000x128xf32>, vector<128x128xf32>, vector<10000x128xf32> -> vector<10000x128xf32>
    %slice3A_40 = vector.extract_strided_slice %dot_general3A_39 {offsets = [0, 0], sizes = [10000, 64], strides = [1, 1]} : vector<10000x128xf32> to vector<10000x64xf32>
    %swap3A = arith.constant 0 : index
    %swap3A_41 = arith.constant 0 : index
    %swap3A_42 = vector.load %arg4[%swap3A, %swap3A_41] : memref<10000x64xf32, #tpu.memory_space<vmem>>, vector<10000x64xf32>
    tpu.vector_store %arg4[%swap3A, %swap3A_41], %slice3A_40 {strides = array<i32>} : memref<10000x64xf32, #tpu.memory_space<vmem>>, vector<10000x64xf32>,
    %slice3A_43 = vector.extract_strided_slice %dot_general3A_39 {offsets = [0, 64], sizes = [10000, 64], strides = [1, 1]} : vector<10000x128xf32> to vector<10000x64xf32>
    %swap3A_44 = arith.constant 0 : index
    %swap3A_45 = arith.constant 0 : index
    %swap3A_46 = vector.load %arg5[%swap3A_44, %swap3A_45] : memref<10000x64xf32, #tpu.memory_space<vmem>>, vector<10000x64xf32>
    tpu.vector_store %arg5[%swap3A_44, %swap3A_45], %slice3A_43 {strides = array<i32>} : memref<10000x64xf32, #tpu.memory_space<vmem>>, vector<10000x64xf32>,
    return
  }
}

</mosaic_0001>

<sc_bundles>
// kernel: kernel.4.cloned.1.call-start
scs
__scs_entry_jumppad:
0x0: {  	(pc) =	sbr.rel $0x88, $3  }
0x1: {  	(tag) =	ssettag $0x0;
	lr =	simm.s32 $0x1  }
0x2: {  	[smem:$0x3F9E] =	sst lr;
	_ =	strace $0xD0000000  }
0x3: {  	_ = 	snop  }
0x4: {  	_ = 	snop  }
0x5: {  	_ = 	snop  }
0x6: {  	_ = 	snop  }
0x7: {  	_ = 	snop  }
__scs_overlays_trampoline_lowered:
0x8: {  	[smem:$0x3FAD] =	sst s0  }
0x9: {  	[smem:$0x3FAE] =	sst s1  }
0xa: {  	[smem:$0x3FAF] =	sst s2  }
0xb: {  	[smem:$0x3FB0] =	sst s3  }
0xc: {  	[smem:$0x3FB1] =	sst s4  }
0xd: {  	[smem:$0x3FB2] =	sst s5  }
0xe: {  	[smem:$0x3FB3] =	sst s6  }
0xf: {  	[smem:$0x3FB4] =	sst s7  }
0x10: {  	[smem:$0x3FB5] =	sst s8  }
0x11: {  	[smem:$0x3FB6] =	sst s9;
	s0 =	simm.s32 @!p0 $0x0  }
0x12: {  	s1 =	sld [smem:$0x3F9C];
	s0 =	simm.s32 @p0 $0x1  }
0x13: {  	[smem:$0x3FB7] =	sst s0;
	s0 =	simm.s32 @!p1 $0x0  }
0x14: {  	s2 =	sld [smem:$0x3F9B];
	s0 =	simm.s32 @p1 $0x1  }
0x15: {  	[smem:$0x3FB8] =	sst s0;
	s0 =	simm.s32 @!p2 $0x0  }
0x16: {  	s3 =	sld [smem:$0x3FDB];
	s0 =	simm.s32 @p2 $0x1  }
0x17: {  	s4 =	simm.s32 $0x1BF5;
	[smem:$0x3FBA] =	sst s0  }
0x18: {  	s0 =	sld [smem:$0x3F9D];
	_ =	swait.ge [sflag:s4], $0x0  }
0x19: {  	s7 =	sld [smem:$0x3F9E]  }
0x1a: {  	s8 =	sadd.s32 $0xFFFFE003, lr  }
0x1b: {  	s9 =	sadd.s32 $0xFFFFFEF7, lr;
	s5 =	simm.s32 $0xFFFFFFFF;
	p2 =	slt.u32 s8, $0xFFFFF086  }
0x1c: {  	p1 =	slt.u32 s9, $0xF7A;
	s5 =	simm.s32 @!p2 $0x0  }
0x1d: {  	s5 =	simm.s32 @p1 $0x1;
	p0 =	seq.s32 s7, s2  }
0x1e: {  	s7 =	smul.u32 @!p0 $0xF7A, s2;
	p2 =	seq.s32 @!p0 s5, $0x0  }
0x1f: {  	s9 =	smul.u32 $0xF7A, s1;
	s8 =	simm.s32 @!p0 $0x1BF5;
	p2 =	por !p2, p0  }
0x20: {  	[sflag:s8] =	ssyncset.s32 @!p0 $0xFFFFF086;
	s6 =	sadd.s32 @!p0 s3, s7;
	s7 =	simm.s32 @!p0 $0x108  }
0x21: {  	s3 =	sadd.s32 s3, s9;
	s6 =	sadd.s32 @!p0 $0x88, s6;
	s7 =	simm.s32 @p2 $0x1082  }
0x22: {  	[simem:s7], [sflag:s8] =	dma.local @!p0 [hbm:s6], $0xF7A  }
0x23: {  	s9 =	sor.u32 $0xD0000000, s2;
	s6 =	simm.s32 $0x108;
	_ =	swait.ge @!p0 [sflag:s8], $0x0  }
0x24: {  	s3 =	sadd.s32 $0x88, s3;
	s6 =	simm.s32 @!p1 $0x1082;
	[sflag:s4] =	ssyncset.s32 $0xFFFFF086  }
0x25: {  	[simem:s6], [sflag:s4] =	dma.local [hbm:s3], $0xF7A  }
0x26: {  	[smem:$0x3F9E] =	sst s1;
	(tag) =	ssettag s2;
	_ =	strace s9  }
0x27: {  	s1 =	sld [smem:$0x3FAE]  }
0x28: {  	s2 =	sld [smem:$0x3FAF]  }
0x29: {  	s4 =	sld [smem:$0x3FB1]  }
0x2a: {  	p0 =	seq.s32 s5, $0x0;
	s5 =	sld [smem:$0x3FB2]  }
0x2b: {  	s6 =	sld [smem:$0x3FB3]  }
0x2c: {  	s7 =	sld [smem:$0x3FB4]  }
0x2d: {  	s3 =	simm.s32 $0x108;
	s8 =	sld [smem:$0x3FB5]  }
0x2e: {  	s3 =	simm.s32 @!p0 $0x1082;
	s9 =	sld [smem:$0x3FB6]  }
0x2f: {  	lr =	sadd.s32 s0, s3;
	s0 =	sld [smem:$0x3FAD]  }
0x30: {  	s3 =	sld [smem:$0x3FB0]  }
0x31: {  	[smem:$0x3FB9] =	sst s10  }
0x32: {  	s10 =	sld [smem:$0x3FB7];
	_ =	sdelay $0x3  }
0x33: {  	p0 =	seq.s32 s10, $0x1;
	s10 =	sld [smem:$0x3FB9];
	_ =	sdelay $0x3  }
0x34: {  	[smem:$0x3FB9] =	sst s10  }
0x35: {  	s10 =	sld [smem:$0x3FB8];
	_ =	sdelay $0x3  }
0x36: {  	p1 =	seq.s32 s10, $0x1;
	s10 =	sld [smem:$0x3FB9];
	_ =	sdelay $0x3  }
0x37: {  	[smem:$0x3FB9] =	sst s10  }
0x38: {  	s10 =	sld [smem:$0x3FBA]  }
0x39: {  	_ = 	snop;
	(pc) =	sbr.ind lr, $3  }
0x3a: {  	_ = 	snop  }
0x3b: {  	_ = 	snop  }
0x3c: {  	p2 =	seq.s32 s10, $0x1;
	s10 =	sld [smem:$0x3FB9]  }
0x3d: {  	_ =	shalt  }
0x3e: {  	_ =	shalt  }
0x3f: {  	_ =	shalt  }
0x40: {  	_ =	shalt  }
0x41: {  	_ =	shalt  }
0x42: {  	_ =	shalt  }
0x43: {  	_ =	shalt  }
0x44: {  	_ =	shalt  }
0x45: {  	_ =	shalt  }
0x46: {  	_ =	shalt  }
0x47: {  	_ =	shalt  }
0x48: {  	_ =	shalt  }
0x49: {  	_ =	shalt  }
0x4a: {  	_ =	shalt  }
0x4b: {  	_ =	shalt  }
0x4c: {  	_ =	shalt  }
0x4d: {  	_ =	shalt  }
0x4e: {  	_ =	shalt  }
0x4f: {  	_ =	shalt  }
0x50: {  	_ =	shalt  }
0x51: {  	_ =	shalt  }
0x52: {  	_ =	shalt  }
0x53: {  	_ =	shalt  }
0x54: {  	_ =	shalt  }
0x55: {  	_ =	shalt  }
0x56: {  	_ =	shalt  }
0x57: {  	_ =	shalt  }
0x58: {  	_ =	shalt  }
0x59: {  	_ =	shalt  }
0x5a: {  	_ =	shalt  }
0x5b: {  	_ =	shalt  }
0x5c: {  	_ =	shalt  }
0x5d: {  	_ =	shalt  }
0x5e: {  	_ =	shalt  }
0x5f: {  	_ =	shalt  }
0x60: {  	_ =	shalt  }
0x61: {  	_ =	shalt  }
0x62: {  	_ =	shalt  }
0x63: {  	_ =	shalt  }
0x64: {  	_ =	shalt  }
0x65: {  	_ =	shalt  }
0x66: {  	_ =	shalt  }
0x67: {  	_ =	shalt  }
0x68: {  	_ =	shalt  }
0x69: {  	_ =	shalt  }
0x6a: {  	_ =	shalt  }
0x6b: {  	_ =	shalt  }
0x6c: {  	_ =	shalt  }
0x6d: {  	_ =	shalt  }
0x6e: {  	_ =	shalt  }
0x6f: {  	_ =	shalt  }
0x70: {  	_ =	shalt  }
0x71: {  	_ =	shalt  }
0x72: {  	_ =	shalt  }
0x73: {  	_ =	shalt  }
0x74: {  	_ =	shalt  }
0x75: {  	_ =	shalt  }
0x76: {  	_ =	shalt  }
0x77: {  	_ =	shalt  }
0x78: {  	_ =	shalt  }
0x79: {  	_ =	shalt  }
0x7a: {  	_ =	shalt  }
0x7b: {  	_ =	shalt  }
0x7c: {  	_ =	shalt  }
0x7d: {  	_ =	shalt  }
0x7e: {  	_ =	shalt  }
0x7f: {  	_ =	shalt  }
0x80: {  	_ =	shalt  }
0x81: {  	_ =	shalt  }
0x82: {  	_ =	shalt  }
0x83: {  	_ =	shalt  }
0x84: {  	_ =	shalt  }
0x85: {  	_ =	shalt  }
0x86: {  	_ =	shalt  }
0x87: {  	_ =	shalt  }
.Lfunc_end0:
.L_simem_size_0:
called_computation_lowered:
.L_overlay_start_0:
0x88: {  	s2 =	sld [smem:$0x3FD9]  }
0x89: {  	s3 =	sld [smem:$0x3FFE];
	_ =	sdelay $0x1  }
0x8a: {  	s1 =	srdreg.scid  }
0x8b: {  	s0 =	sand.u32 $0x1, s1  }
0x8c: {  	s17 =	sshll.u32 s0, $0xA;
	s2 =	sadd.s32 s3, s2  }
0x8d: {  	s2 =	sadd.s32 s2, s17  }
0x8e: {  	[smem:$0x3FC5] =	sst s2  }
0x8f: {  	_ = 	snop  }
0x90: {  	s2 =	sld [smem:$0x3FD0];
	(tm) =	ssettm $0x1  }
0x91: {  	s18 =	sld [smem:$0x3FFB];
	_ =	sdelay $0x3  }
0x92: {  	_ =	strace s18  }
0x93: {  	s3 =	sld [smem:$0x3FFC];
	_ =	sdelay $0x3  }
0x94: {  	_ =	strace s3  }
0x95: {  	s3 =	sld [smem:$0x3FFD];
	_ =	sdelay $0x3  }
0x96: {  	_ =	strace s3  }
0x97: {  	_ =	strace $0x8FFFFFFF  }
0x98: {  	s19 =	sld [smem:$0x3FDB];
	_ =	sdelay $0x1  }
0x99: {  	s4 =	simm.s32 $_scs_section_size  }
0x9a: {  	s5 =	simm.s32 $_size__tile_overlayer_lowered;
	s6 =	simm.s32 $_tile_overlayer_lowered  }
0x9b: {  	s22 =	simm.s32 $0x1BFF;
	s21 =	sshll.u32 s6, $0x1;
	s3 =	sadd.s32 s4, s19  }
0x9c: {  	s7 =	simm.s32 $0x0;
	s20 =	sshll.u32 s5, $0x1;
	s5 =	sadd.s32 s21, s3  }
0x9d: {  	[timem:s7], [sflag:s22] =	dma.local [hbm:s5], s20  }
0x9e: {  	_ =	swait.ge [sflag:s22], s20  }
0x9f: {  	s4 =	ssub.s32 $0x0, s20;
	[sflag:s22] =	ssyncset.done $0x0  }
0xa0: {  	[sflag:s22] =	ssyncadd.s32 s4;
	_ =	sdelay $0x1  }
0xa1: {  	s23 =	simm.s32 $0x1B8B  }
0xa2: {  	_ =	swait.ge [sflag:s23], $0x1  }
0xa3: {  	[sflag:s23] =	ssyncset.done $0x0  }
0xa4: {  	s25 =	simm.s32 $0x1B8E;
	s24 =	sld [smem:$0x3FFE];
	[sflag:s23] =	ssyncadd.s32 $0xFFFFFFFF  }
0xa5: {  	s26 =	simm.s32 $execute0_lowered;
	[smem:$0x3FD2] =	sst s25  }
0xa6: {  	s5 =	sshll.u32 s26, $0x1;
	_ =	strace $0x80000046;
	[dreg:$0x1] =	wrdreg $0xFFFFFFFF  }
0xa7: {  	s28 =	simm.s32 $_size_execute0_lowered;
	s3 =	sadd.s32 s3, s5;
	[dreg:$0x0] =	wrdreg $0x0  }
0xa8: {  	s5 =	sshll.u32 s28, $0x1;
	[dreg:$0x2] =	wrdreg s3  }
0xa9: {  	[dreg:$0x3] =	wrdreg s5  }
0xaa: {  	[dreg:$0x4] =	wrdreg $0xC0  }
0xab: {  	_ =	task [dreg:s7], $0x5FFFF  }
0xac: {  	[dreg:$0x1] =	wrdreg $0xFFFFFFFF  }
0xad: {  	[dreg:$0x0] =	wrdreg $0x60  }
0xae: {  	[dreg:$0x2] =	wrdreg s24  }
0xaf: {  	[dreg:$0x3] =	wrdreg s2  }
0xb0: {  	[dreg:$0x4] =	wrdreg $0x120C00  }
0xb1: {  	[dreg:$0x5] =	wrdreg $0x9  }
0xb2: {  	_ =	task.clear_ibuf [dreg:s7], $0x6FFFF;
	_ =	strace $0x90000046  }
0xb3: {  	s29 =	simm.s32 $0x9;
	_ =	strace $0x80000048  }
0xb4: {  	_ =	swait.ge [sflag:s29], $0x1  }
0xb5: {  	[sflag:s29] =	ssyncadd.s32 $0xFFFFFFFF  }
0xb6: {  	_ =	strace $0x90000048  }
0xb7: {  	_ =	sfence  }
0xb8: {  	s30 =	sld [smem:$0x0];
	_ =	sdelay $0x2  }
0xb9: {  	s31 =	sshll.u32 s1, $0xD;
	s1 =	sshrl.u32 s1, $0x2  }
0xba: {  	s3 =	sand.u32 $0x4000, s31;
	s1 =	sadd.s32 s1, s30  }
0xbb: {  	s0 =	sor.u32 s3, s0;
	s1 =	sshll.u32 s1, $0x11  }
0xbc: {  	s0 =	sor.u32 s1, s0  }
0xbd: {  	s0 =	sadd.s32 $0x8F2B, s0  }
0xbe: {  	[sflag:s0] =	ssyncadd.remote.s32 $0x1  }
0xbf: {  	_ =	sfence.sel $0xFFFF  }
0xc0: {  	[dreg:$0x0] =	wrdreg $0xFFFFFFFF;
	(pc) =	sbr.abs _section_cstart, $3  }
0xc1: {  	[dreg:$0x1] =	wrdreg $0xFFFFFFFF  }
0xc2: {  	_ =	task.clear_ibuf [dreg:s7], $0x2FFFF;
	_ =	strace $0x9FFFFFFF  }
0xc3: {  	(tm) =	ssettm $0x7FFFFFFF  }
tec
execute0_lowered:
.L_overlay_start_1:
0x0: {  	(tag) =	ssettag $0x1  }
0x1: {  	s0 =	rddreg [dreg:$0x0]  }
0x2: {  	s1 =	rddreg [dreg:$0x1]  }
0x3: {  	s2 =	rddreg [dreg:$0x2];
	s3 =	simm.s32 $0x0  }
0x4: {  	s12 =	stileid.u32;
	s5 =	srdreg.scid;
	s19 =	simm.s32 $0x7  }
0x5: {  	s30 =	simm.s32 $0xF4C0;
	s31 =	simm.s32 $0x1;
	s21 =	smul.u32 $0x9C00, s12  }
0x6: {  	s20 =	simm.s32 $0x4;
	[smem:$0x7FF] =	sst s3;
	s6 =	smul.u32 $0x9CC, s12  }
0x7: {  	s4 =	sadd.s32 $0x14200, s0;
	s7 =	sand.u32 $0x1, s5;
	s22 =	smul.u32 $0x2700, s12  }
0x8: {  	s5 =	sadd.s32 $0x800, s0;
	s11 =	smul.u32 $0x27000, s12;
	s26 =	sadd.s32 $0x24908, s1  }
0x9: {  	s28 =	sadd.s32 $0x24900, s1;
	_ =	strace $0x80000047;
	[dreg:$0xb] =	wrdreg s26  }
0xa: {  	p0 =	seq.s32 s12, $0xF;
	s9 =	ssub.s32 $0x2, s7;
	[dreg:$0xc] =	wrdreg s28  }
0xb: {  	p1 =	sne.s32 s7, $0x0;
	s8 =	sshrl.u32 s21, $0x3;
	s6 =	sadd.s32 s6, s0  }
0xc: {  	s10 =	sshrl.u32 s9, $0x1;
	s3 =	sadd.s32 s21, s2;
	s24 =	sadd.s32 s1, s22  }
0xd: {  	s8 =	sadd.s32 s8, s0;
	s0 =	sadd.s32 $0x4DC80, s0;
	[dreg:$0x7] =	wrdreg s24  }
0xe: {  	s25 =	sshrl.u32 s11, $0x2;
	s23 =	sadd.s32 $0x31A00, s6;
	[dreg:$0x5] =	wrdreg s0  }
0xf: {  	s21 =	simm.s32 $0x58;
	s6 =	sadd.s32 $0x27C00, s6;
	[dreg:$0x6] =	wrdreg s23  }
0x10: {  	s22 =	simm.s32 $0x9CC0;
	s8 =	sadd.s32 $0x3B800, s8;
	[dreg:$0x8] =	wrdreg s6  }
0x11: {  	s9 =	ssub.s32 s9, s10;
	s0 =	sadd.s32 $0x8, s24;
	[dreg:$0x4] =	wrdreg s8  }
0x12: {  	s1 =	simm.s32 $0x2;
	s29 =	smax.u32 s9, $0x1;
	[dreg:$0x9] =	wrdreg s0  }
.Ltmp0:
0x13: {  	s0 =	sadd.s32 s25, s2;
	[dreg:$0xd] =	wrdreg s29;
	(pc) =	sbr.rel .LBB2_1-.Ltmp0, $4  }
0x14: {  	s8 =	sadd.s32 $0x92400, s2;
	[dreg:$0xa] =	wrdreg s0;
	s0 =	sshll.u32 @!p0 s12, $0x6  }
0x15: {  	s9 =	sshrl.u32 @p0 s8, $0x3;
	s8 =	sor.u32 @!p0 $0x1C07, s0;
	s0 =	sshrl.u32 @!p0 s3, $0x3  }
0x16: {  	s23 =	simm.s32 $0x6;
	s24 =	simm.s32 $0x0;
	[dreg:$0xf] =	wrdreg s0  }
0x17: {  	s25 =	simm.s32 $0xC8C0;
	s0 =	simm.s32 $0x10AC0;
	[dreg:$0xe] =	wrdreg s8  }
.LBB2_7:
0x18: {  	[sflag:s19] =	ssyncset.done $0x0  }
0x19: {  	[sflag:s19] =	ssyncadd.s32 $0xFFFFEA00  }
0x1a: {  	s3 =	simm.s32 @p0 $0x1;
	s6 =	simm.s32 @p0 $0x10;
	[bflag:$0x0] =	sbarrier.arrive $0xFFFF  }
0x1b: {  	s7 =	simm.s32 @p0 $0x8;
	s8 =	simm.s32 @p0 $0x1FC7;
	s9 =	rddreg [dreg:$0xb]  }
0x1c: {  	[hbm:s9@s6], [sflag:s8] =	dma.strided @p0 [spmem:s17@s7], $0x1400, s3, $0x8   }
0x1d: {  	s3 =	simm.s32 @p0 $0x7  }
0x1e: {  	s6 =	simm.s32 @!p0 $0x10;
	_ =	swait.ge @p0 [sflag:s3], $0x1400  }
0x1f: {  	s7 =	simm.s32 @!p0 $0x8;
	[sflag:s3] =	ssyncset.done @p0 $0x0;
	s8 =	rddreg [dreg:$0x9]  }
0x20: {  	s10 =	rddreg [dreg:$0xe];
	[sflag:s3] =	ssyncadd.s32 @p0 $0xFFFFEC00;
	s3 =	simm.s32 @!p0 $0x1  }
0x21: {  	[hbm:s8@s6], [sflag:s10] =	dma.strided @!p0 [spmem:s26@s7], $0x1380, s3, $0x8   }
0x22: {  	s3 =	simm.s32 @!p0 $0x7  }
0x23: {  	_ =	swait.ge @!p0 [sflag:s3], $0x1380  }
0x24: {  	[sflag:s3] =	ssyncset.done @!p0 $0x0  }
0x25: {  	s9 =	smov.u32 s17;
	s8 =	smov.u32 s10;
	[sflag:s3] =	ssyncadd.s32 @!p0 $0xFFFFEC80  }
.LBB2_8:
0x26: {  	s24 =	sadd.s32 $0x1, s24;
	s3 =	rddreg [dreg:$0xd]  }
0x27: {  	p2 =	sne.s32 s24, s3  }
.Ltmp1:
0x28: {  	_ = 	snop;
	(pc) =	sbr.rel @!p2 .LBB2_9-.Ltmp1, $1  }
0x29: {  	_ =	sdelay $0x3  }
.LBB2_1:
0x2a: {  	s3 =	simm.s32 @p0 $0x1FC7;
	s6 =	rddreg [dreg:$0x5]  }
0x2b: {  	[spmem:s9], [sflag:s3] =	dma.local @p0 [hbm:s6], $0x1400  }
0x2c: {  	s3 =	simm.s32 @p0 $0x7  }
0x2d: {  	_ =	swait.ge @p0 [sflag:s3], $0x1400  }
0x2e: {  	[sflag:s3] =	ssyncset.done @p0 $0x0;
	s6 =	rddreg [dreg:$0xf]  }
0x2f: {  	[sflag:s3] =	ssyncadd.s32 @p0 $0xFFFFEC00;
	s3 =	rddreg [dreg:$0x4]  }
0x30: {  	[spmem:s6], [sflag:s8] =	dma.local @!p0 [hbm:s3], $0x1380  }
0x31: {  	s3 =	simm.s32 @!p0 $0x7  }
0x32: {  	_ =	swait.ge @!p0 [sflag:s3], $0x1380  }
0x33: {  	[sflag:s3] =	ssyncset.done @!p0 $0x0  }
0x34: {  	s26 =	simm.s32 $0x0;
	s28 =	rddreg [dreg:$0x6];
	[sflag:s3] =	ssyncadd.s32 @!p0 $0xFFFFEC80  }
0x35: {  	[tilespmem:s26], [sflag:$0x7] =	stream.linear.gather [hbm4b:s28+s26], $0x4E60, $0x38;
	[tilespmem:$0x1BD20] =	vst v63  }
0x36: {  	_ =	swait.ge [sflag:s19], $0x4E60  }
0x37: {  	[sflag:s19] =	ssyncset.done $0x0  }
0x38: {  	s7 =	simm.s32 $0x4E60;
	s29 =	rddreg [dreg:$0x8];
	[sflag:s19] =	ssyncadd.s32 $0xFFFFB1A0  }
0x39: {  	[tilespmem:s7], [sflag:$0x7] =	stream.linear.gather [hbm4b:s29+s26], $0x4E60, $0x38;
	[tilespmem:$0x1BD20] =	vst v63  }
0x3a: {  	_ =	swait.ge [sflag:s19], $0x4E60  }
.Ltmp2:
0x3b: {  	[sflag:s19] =	ssyncset.done $0x0;
	(pc) =	sbr.rel @p1 .LBB2_5-.Ltmp2, $4  }
0x3c: {  	[sflag:s19] =	ssyncadd.s32 $0xFFFFB1A0  }
0x3d: {  	[bflag:$0x0] =	sbarrier.arrive $0xFFFF  }
0x3e: {  	s3 =	rddreg [dreg:$0xa]  }
0x3f: {  	s17 =	smov.u32 s9;
	s26 =	sshrl.u32 @!p0 s3, $0x3;
	s3 =	simm.s32 $0x0  }
0x40: {  	[tilespmem:s22], [sflag:$0x1] =	stream.indirect.gather [hbm4b:s4+s21], $0x40, s3, s21, $0xb8;
	[tilespmem:$0x1BD20] =	vst v63  }
0x41: {  	s11 =	simm.s32 $0xB2C0  }
0x42: {  	[tilespmem:s11], [sflag:$0x2] =	stream.indirect.gather [hbm4b:s4+s21], $0x40, s21, s21, $0xb8;
	[tilespmem:$0x1BD20] =	vst v63  }
0x43: {  	s12 =	simm.s32 $0xB0  }
0x44: {  	[tilespmem:s25], [sflag:$0x3] =	stream.indirect.gather [hbm4b:s4+s21], $0x40, s12, s21, $0xb8;
	[tilespmem:$0x1BD20] =	vst v63  }
0x45: {  	s13 =	simm.s32 $0x108;
	s6 =	simm.s32 $0xDEC0  }
0x46: {  	[tilespmem:s6], [sflag:$0x4] =	stream.indirect.gather [hbm4b:s4+s21], $0x40, s13, s21, $0xb8;
	[tilespmem:$0x1BD20] =	vst v63  }
0x47: {  	s14 =	simm.s32 $0x160  }
0x48: {  	[tilespmem:s30], [sflag:$0x5] =	stream.indirect.gather [hbm4b:s4+s21], $0x40, s14, s21, $0xb8;
	[tilespmem:$0x1BD20] =	vst v63  }
0x49: {  	_ =	swait.ge [sflag:s31], $0x1600  }
0x4a: {  	[sflag:s31] =	ssyncset.done $0x0  }
0x4b: {  	s15 =	simm.s32 $0x1B8;
	[sflag:s31] =	ssyncadd.s32 $0xFFFFEA00  }
0x4c: {  	[tilespmem:s0], [sflag:$0x6] =	stream.indirect.gather [hbm4b:s4+s21], $0x40, s15, s21, $0xb8;
	[tilespmem:$0x1BD20] =	vst v63  }
0x4d: {  	s16 =	simm.s32 $0x4E60  }
0x4e: {  	[spmem:s2] =	stream.indirect.scatter.add.f32 [tilespmem:s22], [sflag:$0x7], $0x40, s16, s21, $0xb8;
	[tilespmem:$0x1BD20] =	vst v63  }
0x4f: {  	_ =	swait.ge [sflag:s19], $0x1600  }
0x50: {  	[sflag:s19] =	ssyncset.done $0x0  }
0x51: {  	[sflag:s19] =	ssyncadd.s32 $0xFFFFEA00  }
0x52: {  	p2 =	por $0x0, $0x0;
	_ =	swait.ge [sflag:s1], $0x1600  }
0x53: {  	s3 =	simm.s32 @p2 $0x58;
	[sflag:s1] =	ssyncset.done $0x0  }
0x54: {  	s7 =	simm.s32 @p2 $0xB2C0;
	s6 =	simm.s32 @p2 $0x4EB8;
	[sflag:s1] =	ssyncadd.s32 $0xFFFFEA00  }
0x55: {  	[spmem:s2] =	stream.indirect.scatter.add.f32 @p2 [tilespmem:s7], [sflag:$0x7], $0x40, s6, s3, $0xb8;
	[tilespmem:$0x1BD20] =	vst v63  }
0x56: {  	s6 =	simm.s32 @p2 $0x7  }
0x57: {  	_ =	swait.ge @p2 [sflag:s6], $0x1600  }
0x58: {  	[sflag:s6] =	ssyncset.done @p2 $0x0  }
0x59: {  	s7 =	simm.s32 @p2 $0x3;
	[sflag:s6] =	ssyncadd.s32 @p2 $0xFFFFEA00  }
0x5a: {  	_ =	swait.ge @p2 [sflag:s7], $0x1600  }
0x5b: {  	s8 =	simm.s32 @!p2 $0x210;
	[sflag:s7] =	ssyncset.done @p2 $0x0  }
0x5c: {  	s9 =	simm.s32 @!p2 $0x58;
	s10 =	simm.s32 @!p2 $0x9CC0;
	[sflag:s7] =	ssyncadd.s32 @p2 $0xFFFFEA00  }
0x5d: {  	[tilespmem:s10], [sflag:$0x1] =	stream.indirect.gather @!p2 [hbm4b:s4+s9], $0x40, s8, s9, $0xb8;
	[tilespmem:$0x1BD20] =	vst v63  }
0x5e: {  	s7 =	simm.s32 @!p2 $0x4EB8;
	s8 =	simm.s32 @!p2 $0xB2C0;
	s10 =	simm.s32 @!p2 $0x7  }
0x5f: {  	[spmem:s2] =	stream.indirect.scatter.add.f32 @!p2 [tilespmem:s8], [sflag:$0x7], $0x40, s7, s9, $0xb8;
	[tilespmem:$0x1BD20] =	vst v63  }
0x60: {  	_ =	swait.ge @!p2 [sflag:s10], $0x1600  }
0x61: {  	[sflag:s10] =	ssyncset.done @!p2 $0x0  }
0x62: {  	s7 =	simm.s32 @!p2 $0x3;
	[sflag:s10] =	ssyncadd.s32 @!p2 $0xFFFFEA00  }
0x63: {  	_ =	swait.ge @!p2 [sflag:s7], $0x1600  }
0x64: {  	[sflag:s7] =	ssyncset.done @!p2 $0x0  }
0x65: {  	[sflag:s7] =	ssyncadd.s32 @!p2 $0xFFFFEA00;
	s7 =	simm.s32 @!p2 $0x268  }
0x66: {  	[tilespmem:s8], [sflag:$0x2] =	stream.indirect.gather @!p2 [hbm4b:s4+s9], $0x40, s7, s9, $0xb8;
	[tilespmem:$0x1BD20] =	vst v63  }
0x67: {  	s18 =	simm.s32 $0x4F10  }
0x68: {  	[spmem:s2] =	stream.indirect.scatter.add.f32 [tilespmem:s25], [sflag:$0x7], $0x40, s18, s21, $0xb8;
	[tilespmem:$0x1BD20] =	vst v63  }
0x69: {  	_ =	swait.ge [sflag:s19], $0x1600  }
0x6a: {  	[sflag:s19] =	ssyncset.done $0x0  }
0x6b: {  	[sflag:s19] =	ssyncadd.s32 $0xFFFFEA00  }
0x6c: {  	_ =	swait.ge [sflag:s20], $0x1600  }
0x6d: {  	[sflag:s20] =	ssyncset.done $0x0  }
0x6e: {  	s7 =	simm.s32 @p2 $0x4F68;
	s8 =	simm.s32 @p2 $0xDEC0;
	[sflag:s20] =	ssyncadd.s32 $0xFFFFEA00  }
0x6f: {  	[spmem:s2] =	stream.indirect.scatter.add.f32 @p2 [tilespmem:s8], [sflag:$0x7], $0x40, s7, s3, $0xb8;
	[tilespmem:$0x1BD20] =	vst v63  }
0x70: {  	_ =	swait.ge @p2 [sflag:s6], $0x1600  }
0x71: {  	[sflag:s6] =	ssyncset.done @p2 $0x0  }
0x72: {  	s3 =	simm.s32 @p2 $0x5;
	[sflag:s6] =	ssyncadd.s32 @p2 $0xFFFFEA00  }
0x73: {  	_ =	swait.ge @p2 [sflag:s3], $0x1600  }
0x74: {  	[sflag:s3] =	ssyncset.done @p2 $0x0  }
0x75: {  	s6 =	simm.s32 @!p2 $0x2C0;
	[sflag:s3] =	ssyncadd.s32 @p2 $0xFFFFEA00;
	s3 =	simm.s32 @!p2 $0xC8C0  }
0x76: {  	[tilespmem:s3], [sflag:$0x3] =	stream.indirect.gather @!p2 [hbm4b:s4+s9], $0x40, s6, s9, $0xb8;
	[tilespmem:$0x1BD20] =	vst v63  }
0x77: {  	s3 =	simm.s32 @!p2 $0x4F68;
	s6 =	simm.s32 @!p2 $0xDEC0  }
0x78: {  	[spmem:s2] =	stream.indirect.scatter.add.f32 @!p2 [tilespmem:s6], [sflag:$0x7], $0x40, s3, s9, $0xb8;
	[tilespmem:$0x1BD20] =	vst v63  }
0x79: {  	_ =	swait.ge @!p2 [sflag:s10], $0x1600  }
0x7a: {  	[sflag:s10] =	ssyncset.done @!p2 $0x0  }
0x7b: {  	s3 =	simm.s32 @!p2 $0x5;
	[sflag:s10] =	ssyncadd.s32 @!p2 $0xFFFFEA00  }
0x7c: {  	_ =	swait.ge @!p2 [sflag:s3], $0x1600  }
0x7d: {  	[sflag:s3] =	ssyncset.done @!p2 $0x0  }
0x7e: {  	[sflag:s3] =	ssyncadd.s32 @!p2 $0xFFFFEA00;
	s3 =	simm.s32 @!p2 $0x318  }
0x7f: {  	[tilespmem:s6], [sflag:$0x4] =	stream.indirect.gather @!p2 [hbm4b:s4+s9], $0x40, s3, s9, $0xb8;
	[tilespmem:$0x1BD20] =	vst v63  }
0x80: {  	s28 =	simm.s32 $0x4FC0  }
0x81: {  	[spmem:s2] =	stream.indirect.scatter.add.f32 [tilespmem:s30], [sflag:$0x7], $0x40, s28, s21, $0xb8;
	[tilespmem:$0x1BD20] =	vst v63  }
0x82: {  	_ =	swait.ge [sflag:s19], $0x1600  }
0x83: {  	[sflag:s19] =	ssyncset.done $0x0  }
0x84: {  	[sflag:s19] =	ssyncadd.s32 $0xFFFFEA00  }
0x85: {  	_ =	swait.ge [sflag:s23], $0x1600  }
0x86: {  	[sflag:s23] =	ssyncset.done $0x0  }
0x87: {  	s3 =	simm.s32 @!p2 $0x370;
	s6 =	simm.s32 @!p2 $0xF4C0;
	[sflag:s23] =	ssyncadd.s32 $0xFFFFEA00  }
0x88: {  	[tilespmem:s6], [sflag:$0x5] =	stream.indirect.gather @!p2 [hbm4b:s4+s9], $0x40, s3, s9, $0xb8;
	[tilespmem:$0x1BD20] =	vst v63  }
0x89: {  	s29 =	simm.s32 $0x5018  }
0x8a: {  	[spmem:s2] =	stream.indirect.scatter.add.f32 [tilespmem:s0], [sflag:$0x7], $0x40, s29, s21, $0xb8;
	[tilespmem:$0x1BD20] =	vst v63  }
0x8b: {  	s11 =	simm.s32 $0x840;
	_ =	swait.ge [sflag:s19], $0x1600  }
.LBB2_3:
0x8c: {  	[sflag:s19] =	ssyncset.done $0x0;
	s6 =	smov.u32 s11;
	s11 =	sadd.s32 $0x840, s11  }
0x8d: {  	p2 =	sne.s32 s11, $0x13980;
	[sflag:s19] =	ssyncadd.s32 $0xFFFFEA00  }
0x8e: {  	_ =	swait.ge [sflag:s31], $0x1600  }
0x8f: {  	s28 =	sshra.s32 s6, $0x2;
	[sflag:s31] =	ssyncset.done $0x0  }
0x90: {  	s3 =	sadd.s32 $0x1B8, s28;
	[sflag:s31] =	ssyncadd.s32 $0xFFFFEA00  }
0x91: {  	[tilespmem:s0], [sflag:$0x6] =	stream.indirect.gather [hbm4b:s4+s21], $0x40, s3, s21, $0xb8;
	[tilespmem:$0x1BD20] =	vst v63  }
0x92: {  	s3 =	sadd.s32 $0x4E60, s28  }
0x93: {  	[spmem:s2] =	stream.indirect.scatter.add.f32 [tilespmem:s22], [sflag:$0x7], $0x40, s3, s21, $0xb8;
	[tilespmem:$0x1BD20] =	vst v63  }
0x94: {  	_ =	swait.ge [sflag:s19], $0x1600  }
0x95: {  	[sflag:s19] =	ssyncset.done $0x0  }
0x96: {  	[sflag:s19] =	ssyncadd.s32 $0xFFFFEA00  }
0x97: {  	p3 =	seq.s32 s6, $0x13140;
	_ =	swait.ge [sflag:s1], $0x1600  }
0x98: {  	s7 =	sshra.s32 @p3 s6, $0x2;
	s9 =	simm.s32 @p3 $0x58;
	[sflag:s1] =	ssyncset.done $0x0  }
0x99: {  	s8 =	simm.s32 @p3 $0xB2C0;
	s3 =	sadd.s32 @p3 $0x4EB8, s7;
	[sflag:s1] =	ssyncadd.s32 $0xFFFFEA00  }
0x9a: {  	[spmem:s2] =	stream.indirect.scatter.add.f32 @p3 [tilespmem:s8], [sflag:$0x7], $0x40, s3, s9, $0xb8;
	[tilespmem:$0x1BD20] =	vst v63  }
0x9b: {  	s10 =	sadd.s32 @p3 $0x4F68, s7;
	s3 =	simm.s32 @p3 $0x7;
	s8 =	sshra.s32 @!p3 s6, $0x2  }
0x9c: {  	s12 =	sadd.s32 @!p3 $0x210, s8;
	s15 =	sadd.s32 @!p3 $0x4EB8, s8;
	_ =	swait.ge @p3 [sflag:s3], $0x1600  }
0x9d: {  	s18 =	simm.s32 @p3 $0x3;
	s16 =	sadd.s32 @!p3 $0x268, s8;
	[sflag:s3] =	ssyncset.done @p3 $0x0  }
0x9e: {  	s7 =	sadd.s32 @!p3 $0x2C0, s8;
	s6 =	sadd.s32 @!p3 $0x4F68, s8;
	[sflag:s3] =	ssyncadd.s32 @p3 $0xFFFFEA00  }
0x9f: {  	s14 =	sadd.s32 @!p3 $0x318, s8;
	s29 =	sadd.s32 @!p3 $0x370, s8;
	_ =	swait.ge @p3 [sflag:s18], $0x1600  }
0xa0: {  	s13 =	simm.s32 @!p3 $0x58;
	s8 =	simm.s32 @!p3 $0x9CC0;
	[sflag:s18] =	ssyncset.done @p3 $0x0  }
0xa1: {  	[sflag:s18] =	ssyncadd.s32 @p3 $0xFFFFEA00;
	s18 =	simm.s32 @!p3 $0xB2C0  }
0xa2: {  	[tilespmem:s8], [sflag:$0x1] =	stream.indirect.gather @!p3 [hbm4b:s4+s13], $0x40, s12, s13, $0xb8;
	[tilespmem:$0x1BD20] =	vst v63  }
0xa3: {  	s8 =	simm.s32 @!p3 $0x7  }
0xa4: {  	[spmem:s2] =	stream.indirect.scatter.add.f32 @!p3 [tilespmem:s18], [sflag:$0x7], $0x40, s15, s13, $0xb8;
	[tilespmem:$0x1BD20] =	vst v63  }
0xa5: {  	_ =	swait.ge @!p3 [sflag:s8], $0x1600  }
0xa6: {  	s12 =	simm.s32 @!p3 $0x3;
	[sflag:s8] =	ssyncset.done @!p3 $0x0  }
0xa7: {  	[sflag:s8] =	ssyncadd.s32 @!p3 $0xFFFFEA00  }
0xa8: {  	_ =	swait.ge @!p3 [sflag:s12], $0x1600  }
0xa9: {  	[sflag:s12] =	ssyncset.done @!p3 $0x0  }
0xaa: {  	[sflag:s12] =	ssyncadd.s32 @!p3 $0xFFFFEA00;
	s12 =	sadd.s32 $0x4F10, s28  }
0xab: {  	[tilespmem:s18], [sflag:$0x2] =	stream.indirect.gather @!p3 [hbm4b:s4+s13], $0x40, s16, s13, $0xb8;
	[tilespmem:$0x1BD20] =	vst v63  }
0xac: {  	_ = 	snop  }
0xad: {  	[spmem:s2] =	stream.indirect.scatter.add.f32 [tilespmem:s25], [sflag:$0x7], $0x40, s12, s21, $0xb8;
	[tilespmem:$0x1BD20] =	vst v63  }
0xae: {  	_ =	swait.ge [sflag:s19], $0x1600  }
0xaf: {  	[sflag:s19] =	ssyncset.done $0x0  }
0xb0: {  	[sflag:s19] =	ssyncadd.s32 $0xFFFFEA00  }
0xb1: {  	_ =	swait.ge [sflag:s20], $0x1600  }
0xb2: {  	s12 =	simm.s32 @p3 $0xDEC0;
	[sflag:s20] =	ssyncset.done $0x0  }
0xb3: {  	[sflag:s20] =	ssyncadd.s32 $0xFFFFEA00  }
0xb4: {  	[spmem:s2] =	stream.indirect.scatter.add.f32 @p3 [tilespmem:s12], [sflag:$0x7], $0x40, s10, s9, $0xb8;
	[tilespmem:$0x1BD20] =	vst v63  }
0xb5: {  	_ =	swait.ge @p3 [sflag:s3], $0x1600  }
0xb6: {  	s9 =	simm.s32 @p3 $0x5;
	[sflag:s3] =	ssyncset.done @p3 $0x0  }
0xb7: {  	[sflag:s3] =	ssyncadd.s32 @p3 $0xFFFFEA00  }
0xb8: {  	_ =	swait.ge @p3 [sflag:s9], $0x1600  }
0xb9: {  	s3 =	simm.s32 @!p3 $0xC8C0;
	[sflag:s9] =	ssyncset.done @p3 $0x0  }
0xba: {  	[sflag:s9] =	ssyncadd.s32 @p3 $0xFFFFEA00;
	s9 =	simm.s32 @!p3 $0xDEC0  }
0xbb: {  	[tilespmem:s3], [sflag:$0x3] =	stream.indirect.gather @!p3 [hbm4b:s4+s13], $0x40, s7, s13, $0xb8;
	[tilespmem:$0x1BD20] =	vst v63  }
0xbc: {  	_ = 	snop  }
0xbd: {  	[spmem:s2] =	stream.indirect.scatter.add.f32 @!p3 [tilespmem:s9], [sflag:$0x7], $0x40, s6, s13, $0xb8;
	[tilespmem:$0x1BD20] =	vst v63  }
0xbe: {  	_ =	swait.ge @!p3 [sflag:s8], $0x1600  }
0xbf: {  	s3 =	simm.s32 @!p3 $0x5;
	[sflag:s8] =	ssyncset.done @!p3 $0x0  }
0xc0: {  	[sflag:s8] =	ssyncadd.s32 @!p3 $0xFFFFEA00  }
0xc1: {  	_ =	swait.ge @!p3 [sflag:s3], $0x1600  }
0xc2: {  	[sflag:s3] =	ssyncset.done @!p3 $0x0  }
0xc3: {  	[sflag:s3] =	ssyncadd.s32 @!p3 $0xFFFFEA00;
	s3 =	sadd.s32 $0x4FC0, s28  }
0xc4: {  	[tilespmem:s9], [sflag:$0x4] =	stream.indirect.gather @!p3 [hbm4b:s4+s13], $0x40, s14, s13, $0xb8;
	[tilespmem:$0x1BD20] =	vst v63  }
0xc5: {  	_ = 	snop  }
0xc6: {  	[spmem:s2] =	stream.indirect.scatter.add.f32 [tilespmem:s30], [sflag:$0x7], $0x40, s3, s21, $0xb8;
	[tilespmem:$0x1BD20] =	vst v63  }
0xc7: {  	_ =	swait.ge [sflag:s19], $0x1600  }
0xc8: {  	[sflag:s19] =	ssyncset.done $0x0  }
0xc9: {  	[sflag:s19] =	ssyncadd.s32 $0xFFFFEA00  }
0xca: {  	_ =	swait.ge [sflag:s23], $0x1600  }
0xcb: {  	s3 =	simm.s32 @!p3 $0xF4C0;
	[sflag:s23] =	ssyncset.done $0x0  }
.Ltmp3:
0xcc: {  	s6 =	sadd.s32 $0x5018, s28;
	[sflag:s23] =	ssyncadd.s32 $0xFFFFEA00;
	(pc) =	sbr.rel @p2 .LBB2_3-.Ltmp3, $4  }
0xcd: {  	[tilespmem:s3], [sflag:$0x5] =	stream.indirect.gather @!p3 [hbm4b:s4+s13], $0x40, s29, s13, $0xb8;
	[tilespmem:$0x1BD20] =	vst v63  }
0xce: {  	_ = 	snop  }
0xcf: {  	[spmem:s2] =	stream.indirect.scatter.add.f32 [tilespmem:s0], [sflag:$0x7], $0x40, s6, s21, $0xb8;
	[tilespmem:$0x1BD20] =	vst v63  }
0xd0: {  	_ =	swait.ge [sflag:s19], $0x1600  }
0xd1: {  	[sflag:s19] =	ssyncset.done $0x0  }
0xd2: {  	[sflag:s19] =	ssyncadd.s32 $0xFFFFEA00  }
0xd3: {  	s3 =	simm.s32 @p0 $0x1;
	s6 =	simm.s32 @p0 $0x10;
	[bflag:$0x0] =	sbarrier.arrive $0xFFFF  }
0xd4: {  	s7 =	simm.s32 @p0 $0x8;
	s8 =	simm.s32 @p0 $0x1FC7;
	s9 =	rddreg [dreg:$0xc]  }
0xd5: {  	[hbm:s9@s6], [sflag:s8] =	dma.strided @p0 [spmem:s17@s7], $0x1400, s3, $0x8   }
0xd6: {  	s3 =	simm.s32 @p0 $0x7  }
0xd7: {  	s6 =	simm.s32 @!p0 $0x10;
	_ =	swait.ge @p0 [sflag:s3], $0x1400  }
0xd8: {  	s7 =	simm.s32 @!p0 $0x8;
	[sflag:s3] =	ssyncset.done @p0 $0x0;
	s8 =	rddreg [dreg:$0x7]  }
0xd9: {  	s10 =	rddreg [dreg:$0xe];
	[sflag:s3] =	ssyncadd.s32 @p0 $0xFFFFEC00;
	s3 =	simm.s32 @!p0 $0x1  }
0xda: {  	[hbm:s8@s6], [sflag:s10] =	dma.strided @!p0 [spmem:s26@s7], $0x1380, s3, $0x8   }
.Ltmp4:
0xdb: {  	_ = 	snop;
	(pc) =	sbr.rel .LBB2_8-.Ltmp4, $4  }
0xdc: {  	s3 =	simm.s32 @!p0 $0x7  }
0xdd: {  	_ =	swait.ge @!p0 [sflag:s3], $0x1380  }
0xde: {  	[sflag:s3] =	ssyncset.done @!p0 $0x0  }
0xdf: {  	s9 =	smov.u32 s17;
	s8 =	smov.u32 s10;
	[sflag:s3] =	ssyncadd.s32 @!p0 $0xFFFFEC80  }
.LBB2_5:
0xe0: {  	[tilespmem:s22], [sflag:$0x1] =	stream.indirect.gather [hbm4b:s5+s21], $0x40, s3, s21, $0xb8;
	[tilespmem:$0x1BD20] =	vst v63  }
0xe1: {  	s11 =	simm.s32 $0xB2C0  }
0xe2: {  	[tilespmem:s11], [sflag:$0x2] =	stream.indirect.gather [hbm4b:s5+s21], $0x40, s21, s21, $0xb8;
	[tilespmem:$0x1BD20] =	vst v63  }
0xe3: {  	s12 =	simm.s32 $0xB0  }
0xe4: {  	[tilespmem:s25], [sflag:$0x3] =	stream.indirect.gather [hbm4b:s5+s21], $0x40, s12, s21, $0xb8;
	[tilespmem:$0x1BD20] =	vst v63  }
0xe5: {  	s13 =	simm.s32 $0x108;
	s6 =	simm.s32 $0xDEC0  }
0xe6: {  	[tilespmem:s6], [sflag:$0x4] =	stream.indirect.gather [hbm4b:s5+s21], $0x40, s13, s21, $0xb8;
	[tilespmem:$0x1BD20] =	vst v63  }
0xe7: {  	s14 =	simm.s32 $0x160  }
0xe8: {  	[tilespmem:s30], [sflag:$0x5] =	stream.indirect.gather [hbm4b:s5+s21], $0x40, s14, s21, $0xb8;
	[tilespmem:$0x1BD20] =	vst v63  }
0xe9: {  	_ =	swait.ge [sflag:s31], $0x1600  }
0xea: {  	[sflag:s31] =	ssyncset.done $0x0  }
0xeb: {  	s15 =	simm.s32 $0x1B8;
	[sflag:s31] =	ssyncadd.s32 $0xFFFFEA00  }
0xec: {  	[tilespmem:s0], [sflag:$0x6] =	stream.indirect.gather [hbm4b:s5+s21], $0x40, s15, s21, $0xb8;
	[tilespmem:$0x1BD20] =	vst v63  }
0xed: {  	s16 =	simm.s32 $0x4E60  }
0xee: {  	[spmem:s2] =	stream.indirect.scatter.add.f32 [tilespmem:s22], [sflag:$0x7], $0x40, s16, s21, $0xb8;
	[tilespmem:$0x1BD20] =	vst v63  }
0xef: {  	_ =	swait.ge [sflag:s19], $0x1600  }
0xf0: {  	[sflag:s19] =	ssyncset.done $0x0  }
0xf1: {  	[sflag:s19] =	ssyncadd.s32 $0xFFFFEA00  }
0xf2: {  	p2 =	por $0x0, $0x0;
	_ =	swait.ge [sflag:s1], $0x1600  }
0xf3: {  	s3 =	simm.s32 @p2 $0x58;
	[sflag:s1] =	ssyncset.done $0x0  }
0xf4: {  	s7 =	simm.s32 @p2 $0xB2C0;
	s6 =	simm.s32 @p2 $0x4EB8;
	[sflag:s1] =	ssyncadd.s32 $0xFFFFEA00  }
0xf5: {  	[spmem:s2] =	stream.indirect.scatter.add.f32 @p2 [tilespmem:s7], [sflag:$0x7], $0x40, s6, s3, $0xb8;
	[tilespmem:$0x1BD20] =	vst v63  }
0xf6: {  	s6 =	simm.s32 @p2 $0x7  }
0xf7: {  	_ =	swait.ge @p2 [sflag:s6], $0x1600  }
0xf8: {  	[sflag:s6] =	ssyncset.done @p2 $0x0  }
0xf9: {  	s7 =	simm.s32 @p2 $0x3;
	[sflag:s6] =	ssyncadd.s32 @p2 $0xFFFFEA00  }
0xfa: {  	_ =	swait.ge @p2 [sflag:s7], $0x1600  }
0xfb: {  	s8 =	simm.s32 @!p2 $0x210;
	[sflag:s7] =	ssyncset.done @p2 $0x0  }
0xfc: {  	s9 =	simm.s32 @!p2 $0x58;
	s10 =	simm.s32 @!p2 $0x9CC0;
	[sflag:s7] =	ssyncadd.s32 @p2 $0xFFFFEA00  }
0xfd: {  	[tilespmem:s10], [sflag:$0x1] =	stream.indirect.gather @!p2 [hbm4b:s5+s9], $0x40, s8, s9, $0xb8;
	[tilespmem:$0x1BD20] =	vst v63  }
0xfe: {  	s7 =	simm.s32 @!p2 $0x4EB8;
	s8 =	simm.s32 @!p2 $0xB2C0;
	s10 =	simm.s32 @!p2 $0x7  }
0xff: {  	[spmem:s2] =	stream.indirect.scatter.add.f32 @!p2 [tilespmem:s8], [sflag:$0x7], $0x40, s7, s9, $0xb8;
	[tilespmem:$0x1BD20] =	vst v63  }
0x100: {  	_ =	swait.ge @!p2 [sflag:s10], $0x1600  }
0x101: {  	[sflag:s10] =	ssyncset.done @!p2 $0x0  }
0x102: {  	s7 =	simm.s32 @!p2 $0x3;
	[sflag:s10] =	ssyncadd.s32 @!p2 $0xFFFFEA00  }
0x103: {  	_ =	swait.ge @!p2 [sflag:s7], $0x1600  }
0x104: {  	[sflag:s7] =	ssyncset.done @!p2 $0x0  }
0x105: {  	[sflag:s7] =	ssyncadd.s32 @!p2 $0xFFFFEA00;
	s7 =	simm.s32 @!p2 $0x268  }
0x106: {  	[tilespmem:s8], [sflag:$0x2] =	stream.indirect.gather @!p2 [hbm4b:s5+s9], $0x40, s7, s9, $0xb8;
	[tilespmem:$0x1BD20] =	vst v63  }
0x107: {  	s18 =	simm.s32 $0x4F10  }
0x108: {  	[spmem:s2] =	stream.indirect.scatter.add.f32 [tilespmem:s25], [sflag:$0x7], $0x40, s18, s21, $0xb8;
	[tilespmem:$0x1BD20] =	vst v63  }
0x109: {  	_ =	swait.ge [sflag:s19], $0x1600  }
0x10a: {  	[sflag:s19] =	ssyncset.done $0x0  }
0x10b: {  	[sflag:s19] =	ssyncadd.s32 $0xFFFFEA00  }
0x10c: {  	_ =	swait.ge [sflag:s20], $0x1600  }
0x10d: {  	[sflag:s20] =	ssyncset.done $0x0  }
0x10e: {  	s7 =	simm.s32 @p2 $0x4F68;
	s8 =	simm.s32 @p2 $0xDEC0;
	[sflag:s20] =	ssyncadd.s32 $0xFFFFEA00  }
0x10f: {  	[spmem:s2] =	stream.indirect.scatter.add.f32 @p2 [tilespmem:s8], [sflag:$0x7], $0x40, s7, s3, $0xb8;
	[tilespmem:$0x1BD20] =	vst v63  }
0x110: {  	_ =	swait.ge @p2 [sflag:s6], $0x1600  }
0x111: {  	[sflag:s6] =	ssyncset.done @p2 $0x0  }
0x112: {  	s3 =	simm.s32 @p2 $0x5;
	[sflag:s6] =	ssyncadd.s32 @p2 $0xFFFFEA00  }
0x113: {  	_ =	swait.ge @p2 [sflag:s3], $0x1600  }
0x114: {  	[sflag:s3] =	ssyncset.done @p2 $0x0  }
0x115: {  	s6 =	simm.s32 @!p2 $0x2C0;
	[sflag:s3] =	ssyncadd.s32 @p2 $0xFFFFEA00;
	s3 =	simm.s32 @!p2 $0xC8C0  }
0x116: {  	[tilespmem:s3], [sflag:$0x3] =	stream.indirect.gather @!p2 [hbm4b:s5+s9], $0x40, s6, s9, $0xb8;
	[tilespmem:$0x1BD20] =	vst v63  }
0x117: {  	s3 =	simm.s32 @!p2 $0x4F68;
	s6 =	simm.s32 @!p2 $0xDEC0  }
0x118: {  	[spmem:s2] =	stream.indirect.scatter.add.f32 @!p2 [tilespmem:s6], [sflag:$0x7], $0x40, s3, s9, $0xb8;
	[tilespmem:$0x1BD20] =	vst v63  }
0x119: {  	_ =	swait.ge @!p2 [sflag:s10], $0x1600  }
0x11a: {  	[sflag:s10] =	ssyncset.done @!p2 $0x0  }
0x11b: {  	s3 =	simm.s32 @!p2 $0x5;
	[sflag:s10] =	ssyncadd.s32 @!p2 $0xFFFFEA00  }
0x11c: {  	_ =	swait.ge @!p2 [sflag:s3], $0x1600  }
0x11d: {  	[sflag:s3] =	ssyncset.done @!p2 $0x0  }
0x11e: {  	[sflag:s3] =	ssyncadd.s32 @!p2 $0xFFFFEA00;
	s3 =	simm.s32 @!p2 $0x318  }
0x11f: {  	[tilespmem:s6], [sflag:$0x4] =	stream.indirect.gather @!p2 [hbm4b:s5+s9], $0x40, s3, s9, $0xb8;
	[tilespmem:$0x1BD20] =	vst v63  }
0x120: {  	s28 =	simm.s32 $0x4FC0  }
0x121: {  	[spmem:s2] =	stream.indirect.scatter.add.f32 [tilespmem:s30], [sflag:$0x7], $0x40, s28, s21, $0xb8;
	[tilespmem:$0x1BD20] =	vst v63  }
0x122: {  	_ =	swait.ge [sflag:s19], $0x1600  }
0x123: {  	[sflag:s19] =	ssyncset.done $0x0  }
0x124: {  	[sflag:s19] =	ssyncadd.s32 $0xFFFFEA00  }
0x125: {  	_ =	swait.ge [sflag:s23], $0x1600  }
0x126: {  	[sflag:s23] =	ssyncset.done $0x0  }
0x127: {  	s3 =	simm.s32 @!p2 $0x370;
	s6 =	simm.s32 @!p2 $0xF4C0;
	[sflag:s23] =	ssyncadd.s32 $0xFFFFEA00  }
0x128: {  	[tilespmem:s6], [sflag:$0x5] =	stream.indirect.gather @!p2 [hbm4b:s5+s9], $0x40, s3, s9, $0xb8;
	[tilespmem:$0x1BD20] =	vst v63  }
0x129: {  	s29 =	simm.s32 $0x5018  }
0x12a: {  	[spmem:s2] =	stream.indirect.scatter.add.f32 [tilespmem:s0], [sflag:$0x7], $0x40, s29, s21, $0xb8;
	[tilespmem:$0x1BD20] =	vst v63  }
0x12b: {  	s11 =	simm.s32 $0x840;
	_ =	swait.ge [sflag:s19], $0x1600  }
.LBB2_6:
0x12c: {  	[sflag:s19] =	ssyncset.done $0x0;
	s6 =	smov.u32 s11;
	s11 =	sadd.s32 $0x840, s11  }
0x12d: {  	p2 =	sne.s32 s11, $0x13980;
	[sflag:s19] =	ssyncadd.s32 $0xFFFFEA00  }
0x12e: {  	_ =	swait.ge [sflag:s31], $0x1600  }
0x12f: {  	s28 =	sshra.s32 s6, $0x2;
	[sflag:s31] =	ssyncset.done $0x0  }
0x130: {  	s3 =	sadd.s32 $0x1B8, s28;
	[sflag:s31] =	ssyncadd.s32 $0xFFFFEA00  }
0x131: {  	[tilespmem:s0], [sflag:$0x6] =	stream.indirect.gather [hbm4b:s5+s21], $0x40, s3, s21, $0xb8;
	[tilespmem:$0x1BD20] =	vst v63  }
0x132: {  	s3 =	sadd.s32 $0x4E60, s28  }
0x133: {  	[spmem:s2] =	stream.indirect.scatter.add.f32 [tilespmem:s22], [sflag:$0x7], $0x40, s3, s21, $0xb8;
	[tilespmem:$0x1BD20] =	vst v63  }
0x134: {  	_ =	swait.ge [sflag:s19], $0x1600  }
0x135: {  	[sflag:s19] =	ssyncset.done $0x0  }
0x136: {  	[sflag:s19] =	ssyncadd.s32 $0xFFFFEA00  }
0x137: {  	p3 =	seq.s32 s6, $0x13140;
	_ =	swait.ge [sflag:s1], $0x1600  }
0x138: {  	s7 =	sshra.s32 @p3 s6, $0x2;
	s9 =	simm.s32 @p3 $0x58;
	[sflag:s1] =	ssyncset.done $0x0  }
0x139: {  	s8 =	simm.s32 @p3 $0xB2C0;
	s3 =	sadd.s32 @p3 $0x4EB8, s7;
	[sflag:s1] =	ssyncadd.s32 $0xFFFFEA00  }
0x13a: {  	[spmem:s2] =	stream.indirect.scatter.add.f32 @p3 [tilespmem:s8], [sflag:$0x7], $0x40, s3, s9, $0xb8;
	[tilespmem:$0x1BD20] =	vst v63  }
0x13b: {  	s10 =	sadd.s32 @p3 $0x4F68, s7;
	s3 =	simm.s32 @p3 $0x7;
	s8 =	sshra.s32 @!p3 s6, $0x2  }
0x13c: {  	s12 =	sadd.s32 @!p3 $0x210, s8;
	s15 =	sadd.s32 @!p3 $0x4EB8, s8;
	_ =	swait.ge @p3 [sflag:s3], $0x1600  }
0x13d: {  	s16 =	simm.s32 @p3 $0x3;
	s18 =	sadd.s32 @!p3 $0x268, s8;
	[sflag:s3] =	ssyncset.done @p3 $0x0  }
0x13e: {  	s7 =	sadd.s32 @!p3 $0x2C0, s8;
	s6 =	sadd.s32 @!p3 $0x4F68, s8;
	[sflag:s3] =	ssyncadd.s32 @p3 $0xFFFFEA00  }
0x13f: {  	s14 =	sadd.s32 @!p3 $0x318, s8;
	s29 =	sadd.s32 @!p3 $0x370, s8;
	_ =	swait.ge @p3 [sflag:s16], $0x1600  }
0x140: {  	s13 =	simm.s32 @!p3 $0x58;
	s8 =	simm.s32 @!p3 $0x9CC0;
	[sflag:s16] =	ssyncset.done @p3 $0x0  }
0x141: {  	[sflag:s16] =	ssyncadd.s32 @p3 $0xFFFFEA00;
	s16 =	simm.s32 @!p3 $0xB2C0  }
0x142: {  	[tilespmem:s8], [sflag:$0x1] =	stream.indirect.gather @!p3 [hbm4b:s5+s13], $0x40, s12, s13, $0xb8;
	[tilespmem:$0x1BD20] =	vst v63  }
0x143: {  	s8 =	simm.s32 @!p3 $0x7  }
0x144: {  	[spmem:s2] =	stream.indirect.scatter.add.f32 @!p3 [tilespmem:s16], [sflag:$0x7], $0x40, s15, s13, $0xb8;
	[tilespmem:$0x1BD20] =	vst v63  }
0x145: {  	_ =	swait.ge @!p3 [sflag:s8], $0x1600  }
0x146: {  	s12 =	simm.s32 @!p3 $0x3;
	[sflag:s8] =	ssyncset.done @!p3 $0x0  }
0x147: {  	[sflag:s8] =	ssyncadd.s32 @!p3 $0xFFFFEA00  }
0x148: {  	_ =	swait.ge @!p3 [sflag:s12], $0x1600  }
0x149: {  	[sflag:s12] =	ssyncset.done @!p3 $0x0  }
0x14a: {  	[sflag:s12] =	ssyncadd.s32 @!p3 $0xFFFFEA00;
	s12 =	sadd.s32 $0x4F10, s28  }
0x14b: {  	[tilespmem:s16], [sflag:$0x2] =	stream.indirect.gather @!p3 [hbm4b:s5+s13], $0x40, s18, s13, $0xb8;
	[tilespmem:$0x1BD20] =	vst v63  }
0x14c: {  	_ = 	snop  }
0x14d: {  	[spmem:s2] =	stream.indirect.scatter.add.f32 [tilespmem:s25], [sflag:$0x7], $0x40, s12, s21, $0xb8;
	[tilespmem:$0x1BD20] =	vst v63  }
0x14e: {  	_ =	swait.ge [sflag:s19], $0x1600  }
0x14f: {  	[sflag:s19] =	ssyncset.done $0x0  }
0x150: {  	[sflag:s19] =	ssyncadd.s32 $0xFFFFEA00  }
0x151: {  	_ =	swait.ge [sflag:s20], $0x1600  }
0x152: {  	s12 =	simm.s32 @p3 $0xDEC0;
	[sflag:s20] =	ssyncset.done $0x0  }
0x153: {  	[sflag:s20] =	ssyncadd.s32 $0xFFFFEA00  }
0x154: {  	[spmem:s2] =	stream.indirect.scatter.add.f32 @p3 [tilespmem:s12], [sflag:$0x7], $0x40, s10, s9, $0xb8;
	[tilespmem:$0x1BD20] =	vst v63  }
0x155: {  	_ =	swait.ge @p3 [sflag:s3], $0x1600  }
0x156: {  	s9 =	simm.s32 @p3 $0x5;
	[sflag:s3] =	ssyncset.done @p3 $0x0  }
0x157: {  	[sflag:s3] =	ssyncadd.s32 @p3 $0xFFFFEA00  }
0x158: {  	_ =	swait.ge @p3 [sflag:s9], $0x1600  }
0x159: {  	s3 =	simm.s32 @!p3 $0xC8C0;
	[sflag:s9] =	ssyncset.done @p3 $0x0  }
0x15a: {  	[sflag:s9] =	ssyncadd.s32 @p3 $0xFFFFEA00;
	s9 =	simm.s32 @!p3 $0xDEC0  }
0x15b: {  	[tilespmem:s3], [sflag:$0x3] =	stream.indirect.gather @!p3 [hbm4b:s5+s13], $0x40, s7, s13, $0xb8;
	[tilespmem:$0x1BD20] =	vst v63  }
0x15c: {  	_ = 	snop  }
0x15d: {  	[spmem:s2] =	stream.indirect.scatter.add.f32 @!p3 [tilespmem:s9], [sflag:$0x7], $0x40, s6, s13, $0xb8;
	[tilespmem:$0x1BD20] =	vst v63  }
0x15e: {  	_ =	swait.ge @!p3 [sflag:s8], $0x1600  }
0x15f: {  	s3 =	simm.s32 @!p3 $0x5;
	[sflag:s8] =	ssyncset.done @!p3 $0x0  }
0x160: {  	[sflag:s8] =	ssyncadd.s32 @!p3 $0xFFFFEA00  }
0x161: {  	_ =	swait.ge @!p3 [sflag:s3], $0x1600  }
0x162: {  	[sflag:s3] =	ssyncset.done @!p3 $0x0  }
0x163: {  	[sflag:s3] =	ssyncadd.s32 @!p3 $0xFFFFEA00;
	s3 =	sadd.s32 $0x4FC0, s28  }
0x164: {  	[tilespmem:s9], [sflag:$0x4] =	stream.indirect.gather @!p3 [hbm4b:s5+s13], $0x40, s14, s13, $0xb8;
	[tilespmem:$0x1BD20] =	vst v63  }
0x165: {  	_ = 	snop  }
0x166: {  	[spmem:s2] =	stream.indirect.scatter.add.f32 [tilespmem:s30], [sflag:$0x7], $0x40, s3, s21, $0xb8;
	[tilespmem:$0x1BD20] =	vst v63  }
0x167: {  	_ =	swait.ge [sflag:s19], $0x1600  }
0x168: {  	[sflag:s19] =	ssyncset.done $0x0  }
0x169: {  	[sflag:s19] =	ssyncadd.s32 $0xFFFFEA00  }
0x16a: {  	_ =	swait.ge [sflag:s23], $0x1600  }
0x16b: {  	s3 =	simm.s32 @!p3 $0xF4C0;
	[sflag:s23] =	ssyncset.done $0x0  }
.Ltmp5:
0x16c: {  	s6 =	sadd.s32 $0x5018, s28;
	[sflag:s23] =	ssyncadd.s32 $0xFFFFEA00;
	(pc) =	sbr.rel @p2 .LBB2_6-.Ltmp5, $4  }
0x16d: {  	[tilespmem:s3], [sflag:$0x5] =	stream.indirect.gather @!p3 [hbm4b:s5+s13], $0x40, s29, s13, $0xb8;
	[tilespmem:$0x1BD20] =	vst v63  }
0x16e: {  	_ = 	snop  }
0x16f: {  	[spmem:s2] =	stream.indirect.scatter.add.f32 [tilespmem:s0], [sflag:$0x7], $0x40, s6, s21, $0xb8;
	[tilespmem:$0x1BD20] =	vst v63  }
0x170: {  	_ =	swait.ge [sflag:s19], $0x1600  }
.Ltmp6:
0x171: {  	_ = 	snop;
	(pc) =	sbr.rel .LBB2_7-.Ltmp6, $1  }
0x172: {  	_ =	sdelay $0x3  }
.LBB2_9:
0x173: {  	_ =	sfence.sel $0x180000  }
0x174: {  	[bflag:$0x0] =	sbarrier.arrive $0xFFFF  }
0x175: {  	_ =	strace $0x90000047  }
0x176: {  	s0 =	stileid.u32;
	[bflag:$0x2] =	sbarrier.arrive $0xFFFF  }
0x177: {  	p0 =	sne.s32 s0, $0x0;
	s0 =	rddreg [dreg:$0x3]  }
0x178: {  	s0 =	sadd.s32 @!p0 $0x100000, s0  }
0x179: {  	[sflag:s0] =	ssyncadd.tile.s32 @!p0 $0x1;
	_ =	shalt  }
.Lfunc_end2:
_tile_overlayer_lowered:
.L_overlay_start_2:
0x17a: {  	(tag) =	ssettag $0x2  }
0x17b: {  	s0 =	rddreg [dreg:$0x0];
	s2 =	stileid.u32  }
0x17c: {  	s1 =	rddreg [dreg:$0x1];
	p0 =	sne.s32 s2, $0x0  }
0x17d: {  	s3 =	rddreg [dreg:$0x2];
	[bflag:$0x3] =	sbarrier.arrive $0xFFFF;
	s2 =	simm.s32 @!p0 $0x1C07  }
0x17e: {  	[timem:s3], [sflag:s2] =	dma.local @!p0 [hbm:s0], s1  }
0x17f: {  	s0 =	simm.s32 @!p0 $0x7  }
0x180: {  	_ =	swait.ge @!p0 [sflag:s0], s1  }
0x181: {  	s1 =	ssub.s32 @!p0 $0x0, s1;
	[sflag:s0] =	ssyncset.done @!p0 $0x0  }
0x182: {  	[sflag:s0] =	ssyncadd.s32 @!p0 s1  }
0x183: {  	[bflag:$0x3] =	sbarrier.arrive $0xFFFF  }
0x184: {  	_ =	shalt  }

</sc_bundles>
